<compile_context>
chip_gen: v7x
topology: tpu7x:2x2x1
jax: 0.10.2.dev20260603
libtpu: 0.0.44.dev20260713+nightly
codegen_flags: <defaults>
</compile_context>

<pallas_src>
import functools

import jax
import jax.numpy as jnp
from jax import lax
from jax.experimental import pallas as pl
from jax.experimental.pallas import tpu as pltpu
from jax.experimental.pallas import tpu_sc as plsc

B = 4
C = 13
H = 480
W = 640
HW = H * W
VOX = (60, 36, 60)
VT = VOX[0] * VOX[1] * VOX[2]

NTPB = 8
VPT = VT // NTPB
GCH = 1016
NG = 16
VPT_PAD = NG * GCH
SENT = B * HW
PAD_ROWS = 2048
KEY_LIM = VPT * 16

CHI = 7680
NCH = HW // CHI
UNROLL = 4
NV4 = CHI // (16 * UNROLL)

SUP = 2


def _shift_up(x, idx):
    dn = lax.GatherDimensionNumbers(
        offset_dims=(), collapsed_slice_dims=(0,), start_index_map=(0,))
    return lax.gather(x, idx[:, None], dn, (1,),
                      mode=lax.GatherScatterMode.PROMISE_IN_BOUNDS)


def _sc_p1_body(map_hbm, win_hbm, winner_v, stage_v, ssem, wsem):
    nc = 2
    wid = lax.axis_index("s") * nc + lax.axis_index("c")
    b = wid // NTPB
    r = wid % NTPB
    vbase = r * VPT
    lo = jnp.maximum(vbase, 1)
    hi = vbase + VPT

    lane = lax.broadcasted_iota(jnp.int32, (16,), 0)

    def init_body(k, _):
        for j in range(8):
            winner_v[pl.ds(k * 128 + j * 16, 16)] = jnp.full(
                (16,), SENT, jnp.int32)
        return 0
    lax.fori_loop(0, VPT_PAD // 128, init_body, 0)

    def copy_in(chunk, buf):
        return pltpu.async_copy(
            map_hbm.at[b, pl.ds(chunk * CHI, CHI)], stage_v.at[buf], ssem)

    def wait_in(chunk, buf):
        pltpu.make_async_copy(
            map_hbm.at[b, pl.ds(chunk * CHI, CHI)], stage_v.at[buf], ssem).wait()

    def one_vec(buf, base, pix):
        v = stage_v[buf, pl.ds(base, 16)]
        valid = (v >= lo) & (v < hi)
        local = v - vbase
        plsc.store_scatter(winner_v, [local], pix, mask=valid)
        return pix + 16

    def chunk_compute(buf, pix):
        def body4(k, pix):
            base = k * (16 * UNROLL)
            for u in range(UNROLL):
                pix = one_vec(buf, base + u * 16, pix)
            return pix
        return lax.fori_loop(0, NV4, body4, pix)

    copy_in(0, 0)

    def pair_body(p, pix):
        ca = 2 * p
        copy_in(ca + 1, 1)
        wait_in(ca, 0)
        pix = chunk_compute(0, pix)

        @pl.when(p < NCH // 2 - 1)
        def _():
            copy_in(ca + 2, 0)
        wait_in(ca + 1, 1)
        pix = chunk_compute(1, pix)
        return pix

    lax.fori_loop(0, NCH // 2, pair_body, b * HW + lane)

    pltpu.async_copy(
        winner_v, win_hbm.at[pl.ds(wid * VPT_PAD, VPT_PAD)], wsem).wait()


def _sc_p2_body(win_hbm, table_hbm, out_hbm, winner_v, big_v,
                wsem, gsem, osem0, osem1):
    nc = 2
    wid = lax.axis_index("s") * nc + lax.axis_index("c")
    b = wid // NTPB
    r = wid % NTPB

    pltpu.async_copy(
        win_hbm.at[pl.ds(wid * VPT_PAD, VPT_PAD)], winner_v, wsem).wait()

    def fire_gather(g, buf, j):
        return pltpu.async_copy(
            table_hbm.at[winner_v.at[pl.ds(g * GCH, GCH)]],
            big_v.at[buf, pl.ds(j * GCH, GCH)], gsem)

    def wait_gather(g, buf, j):
        pltpu.make_async_copy(
            table_hbm.at[winner_v.at[pl.ds(g * GCH, GCH)]],
            big_v.at[buf, pl.ds(j * GCH, GCH)], gsem).wait()

    out_base = r * VPT_PAD
    n_sup = (NG + SUP - 1) // SUP
    osems = (osem0, osem1)
    for s in range(n_sup):
        buf = s % 2
        nch = SUP if s < n_sup - 1 else NG - SUP * (n_sup - 1)
        if s >= 2:
            sprev = s - 2
            nprev = SUP if sprev < n_sup - 1 else NG - SUP * (n_sup - 1)
            pltpu.make_async_copy(
                big_v.at[buf, pl.ds(0, nprev * GCH)],
                out_hbm.at[b, pl.ds(out_base + sprev * SUP * GCH, nprev * GCH), :],
                osems[buf]).wait()

        def fire_body(j, _, s=s, buf=buf):
            fire_gather(s * SUP + j, buf, j)
            return 0
        lax.fori_loop(0, nch, fire_body, 0)

        def drain_body(j, _, s=s, buf=buf):
            wait_gather(s * SUP + j, buf, j)
            return 0
        lax.fori_loop(0, nch, drain_body, 0)

        pltpu.async_copy(
            big_v.at[buf, pl.ds(0, nch * GCH)],
            out_hbm.at[b, pl.ds(out_base + s * SUP * GCH, nch * GCH), :],
            osems[buf])

    for s in (n_sup - 2, n_sup - 1):
        buf = s % 2
        nch = SUP if s < n_sup - 1 else NG - SUP * (n_sup - 1)
        pltpu.make_async_copy(
            big_v.at[buf, pl.ds(0, nch * GCH)],
            out_hbm.at[b, pl.ds(out_base + s * SUP * GCH, nch * GCH), :],
            osems[buf]).wait()


HB = 8
NBLK = B * H // HB
W8 = W // 8


def _tc_table_body(in_ref, out_ref, scr_ref):
    j = pl.program_id(0)
    emb = jnp.eye(C, 16, -1, dtype=jnp.float32)

    @pl.when(j < NBLK)
    def _():
        x = in_ref[0]
        z = lax.dot_general(x, emb, (((0,), (0,)), ((), ())),
                            precision=lax.Precision.DEFAULT)
        scr_ref[...] = z
        for u in range(8):
            out_ref[:, :, u * 16:(u + 1) * 16] = scr_ref[:, u::8, :]

    @pl.when(j == NBLK)
    def _():
        out_ref[...] = jnp.zeros((HB, W8, 128), jnp.float32)


def _tc_build_table(inp):
    return pl.pallas_call(
        _tc_table_body,
        grid=(NBLK + 1,),
        in_specs=[pl.BlockSpec(
            (1, C, HB, W),
            lambda j: (jnp.minimum(j // (H // HB), B - 1), 0,
                       j % (H // HB), 0))],
        out_specs=pl.BlockSpec((HB, W8, 128), lambda j: (j, 0, 0)),
        out_shape=jax.ShapeDtypeStruct(
            (B * H + HB, W8, 128), jnp.float32),
        scratch_shapes=[pltpu.VMEM((HB, W, 16), jnp.float32)],
    )(inp)


OCH = 2032


def _tc_relayout_body(in_ref, out_ref, scr_ref):
    sel = jnp.eye(C - 1, 16, dtype=jnp.float32)
    x = in_ref[0]
    for u in range(8):
        scr_ref[u::8, :] = x[:, u * 16:(u + 1) * 16]
    xt = scr_ref[...]
    out_ref[0] = lax.dot_general(sel, xt, (((1,), (1,)), ((), ())),
                                 precision=lax.Precision.DEFAULT)


def _tc_relayout(out_packed):
    return pl.pallas_call(
        _tc_relayout_body,
        grid=(B, NTPB * VPT_PAD // (OCH * 8)),
        in_specs=[pl.BlockSpec((1, OCH, 128), lambda b, s: (b, s, 0))],
        out_specs=pl.BlockSpec(
            (1, C - 1, OCH * 8), lambda b, s: (b, 0, s)),
        out_shape=jax.ShapeDtypeStruct(
            (B, C - 1, NTPB * VPT_PAD), jnp.float32),
        scratch_shapes=[pltpu.VMEM((OCH * 8, 16), jnp.float32)],
    )(out_packed)


_SC_PARAMS = dict(
    compiler_params=pltpu.CompilerParams(
        needs_layout_passes=False, use_tc_tiling_on_sc=False))


def _sc_phase1(mapping):
    mesh = plsc.VectorSubcoreMesh(core_axis_name="c", subcore_axis_name="s")
    f = pl.kernel(
        _sc_p1_body,
        out_type=jax.ShapeDtypeStruct((4 * NTPB * VPT_PAD,), jnp.int32),
        mesh=mesh,
        scratch_types=[
            pltpu.VMEM((VPT_PAD,), jnp.int32),
            pltpu.VMEM((2, CHI), jnp.int32),
            pltpu.SemaphoreType.DMA,
            pltpu.SemaphoreType.DMA,
        ],
        **_SC_PARAMS,
    )
    return f(mapping)


def _sc_phase2(winners, table):
    mesh = plsc.VectorSubcoreMesh(core_axis_name="c", subcore_axis_name="s")
    f = pl.kernel(
        _sc_p2_body,
        out_type=jax.ShapeDtypeStruct((B, NTPB * VPT_PAD, 16), jnp.float32),
        mesh=mesh,
        scratch_types=[
            pltpu.VMEM((VPT_PAD,), jnp.int32),
            pltpu.VMEM((2, SUP * GCH, 16), jnp.float32),
            pltpu.SemaphoreType.DMA,
            pltpu.SemaphoreType.DMA,
            pltpu.SemaphoreType.DMA,
            pltpu.SemaphoreType.DMA,
        ],
        **_SC_PARAMS,
    )
    return f(winners, table)


def kernel(input, depth_mapping_3d):
    table3 = _tc_build_table(input)
    table = table3.reshape((B * H + HB) * W8 * 8, 16)
    winners = _sc_phase1(depth_mapping_3d)
    out_t = _sc_phase2(winners, table)
    out_packed = out_t.reshape(B, NTPB * VPT_PAD // 8, 128)
    o = _tc_relayout(out_packed)
    o = o.reshape(B, C - 1, NTPB, VPT_PAD)[:, :, :, :VPT]
    return o.reshape(B, C - 1, *VOX[::-1])

# --- scband reference (transcript-rebuilt; emitter-appended) ---
"""Pipeline reference for scband-reprojection-22539988370062 (READ-ONLY COPY).

The authoritative reference and input builder live on the scoring server;
editing this copy changes nothing except your own understanding.
"""

import jax, jax.numpy as jnp
import numpy as np

VOX_SIZE = [60, 36, 60]
B, C, H, W = 4, 13, 480, 640


def setup_inputs(seed: int = 0) -> dict:
    key = jax.random.key(seed)
    k1, k2 = jax.random.split(key)
    inp = jax.random.normal(k1, (B, C, H, W), dtype=jnp.float32)
    vt = VOX_SIZE[0] * VOX_SIZE[1] * VOX_SIZE[2]
    depth_mapping_3d = jax.random.randint(k2, (B, H * W), 0, vt, dtype=jnp.int32)
    return {"input": inp, "depth_mapping_3d": depth_mapping_3d}


def reference(input, depth_mapping_3d):
    vox_size = VOX_SIZE
    b, c, h, w = input.shape
    num_classes = c - 1
    vt = vox_size[0] * vox_size[1] * vox_size[2]
    inp = input.reshape(b, c, h * w)
    mapping = depth_mapping_3d
    mask = mapping > 0
    # route invalid (mapping <= 0) writes to a dummy voxel slot vt, sliced off later
    idx = jnp.where(mask, mapping, vt)
    vals = jnp.transpose(inp[:, 1:, :], (0, 2, 1))  # [B, HW, num_classes]
    b_arr = jnp.broadcast_to(jnp.arange(b)[:, None], mapping.shape)
    out = jnp.zeros((b, num_classes, vt + 1), dtype=input.dtype)
    # scatter-overwrite: output[b, :, mapping[b, i]] = input[b, 1:, i]
    out = out.at[b_arr, :, idx].set(vals)
    out = out[:, :, :vt].reshape(b, num_classes, vox_size[2], vox_size[1], vox_size[0])
    return out

if __name__ == "__main__":
    import jax
    _d = setup_inputs()
    print(jax.jit(kernel)(*tuple(_d.values())))

</pallas_src>

<mosaic_0001>
#map = affine_map<(d0, d1) -> (0)>
#map1 = affine_map<(d0, d1) -> (0, 0)>
#map2 = affine_map<(d0, d1) -> (0, 0, 0)>
module attributes {stable_mosaic.version = 14 : i64} {
  func.func @_sc_p2_body(%arg0: i32, %arg1: i32, %arg2: memref<520192xi32, #tpu.memory_space<hbm>>, %arg3: memref<1233920x16xf32, #tpu.memory_space<hbm>>, %arg4: memref<4x130048x16xf32, #tpu.memory_space<hbm>>, %arg5: memref<16256xi32, #tpu.memory_space<vmem>>, %arg6: memref<2x2032x16xf32, #tpu.memory_space<vmem>>, %arg7: memref<!tpu.dma_semaphore, #tpu.memory_space<semaphore_mem>>, %arg8: memref<!tpu.dma_semaphore, #tpu.memory_space<semaphore_mem>>, %arg9: memref<!tpu.dma_semaphore, #tpu.memory_space<semaphore_mem>>, %arg10: memref<!tpu.dma_semaphore, #tpu.memory_space<semaphore_mem>>) attributes {dimension_semantics = [#tpu.dimension_semantics<core_parallel>, #tpu.dimension_semantics<subcore_parallel>], iteration_bounds = array<i64: 2, 16>, scalar_prefetch = 0 : i64, scratch_operands = 6 : i64, tpu.core_type = #tpu.core_type<sc_vector_subcore>, window_params = [{transform_indices = #map}, {transform_indices = #map1}, {transform_indices = #map2}]} {
    %mul3A = arith.constant 2 : i32
    %mul3A_0 = arith.muli %arg1, %mul3A : i32
    %add3A = arith.addi %mul3A_0, %arg0 : i32
    %jit3A = arith.constant 8 : i32
    %div3A = arith.divsi %add3A, %jit3A : i32
    %sign3A = arith.constant 0 : i32
    %sign3A_1 = arith.cmpi sgt, %add3A, %sign3A : i32
    %sign3A_2 = arith.extui %sign3A_1 : i1 to i32
    %sign3A_3 = arith.constant 0 : i32
    %sign3A_4 = arith.cmpi slt, %add3A, %sign3A_3 : i32
    %sign3A_5 = arith.extui %sign3A_4 : i1 to i32
    %sign3A_6 = arith.subi %sign3A_2, %sign3A_5 : i32
    %sign3A_7 = arith.constant 0 : i32
    %sign3A_8 = arith.cmpi sgt, %jit3A, %sign3A_7 : i32
    %sign3A_9 = arith.extui %sign3A_8 : i1 to i32
    %sign3A_10 = arith.constant 0 : i32
    %sign3A_11 = arith.cmpi slt, %jit3A, %sign3A_10 : i32
    %sign3A_12 = arith.extui %sign3A_11 : i1 to i32
    %sign3A_13 = arith.subi %sign3A_9, %sign3A_12 : i32
    %ne3A = arith.cmpi ne, %sign3A_6, %sign3A_13 : i32
    %rem3A = arith.remsi %add3A, %jit3A : i32
    %ne3A_14 = arith.constant 0 : i32
    %ne3A_15 = arith.cmpi ne, %rem3A, %ne3A_14 : i32
    %and3A = arith.andi %ne3A, %ne3A_15 : i1
    %sub3A = arith.constant 1 : i32
    %sub3A_16 = arith.subi %div3A, %sub3A : i32
    %select_n3A = arith.select %and3A, %sub3A_16, %div3A : i32
    %jit3A_17 = arith.constant 8 : i32
    %eq3A = arith.constant 0 : i32
    %eq3A_18 = arith.cmpi eq, %jit3A_17, %eq3A : i32
    %jit3A_19 = arith.constant 1 : i32
    %select_n3A_20 = arith.select %eq3A_18, %jit3A_19, %jit3A_17 : i32
    %rem3A_21 = arith.remsi %add3A, %select_n3A_20 : i32
    %ne3A_22 = arith.constant 0 : i32
    %ne3A_23 = arith.cmpi ne, %rem3A_21, %ne3A_22 : i32
    %lt3A = arith.constant 0 : i32
    %lt3A_24 = arith.cmpi slt, %rem3A_21, %lt3A : i32
    %lt3A_25 = arith.constant 0 : i32
    %lt3A_26 = arith.cmpi slt, %select_n3A_20, %lt3A_25 : i32
    %ne3A_27 = arith.xori %lt3A_24, %lt3A_26 : i1
    %and3A_28 = arith.andi %ne3A_27, %ne3A_23 : i1
    %add3A_29 = arith.addi %rem3A_21, %select_n3A_20 : i32
    %select_n3A_30 = arith.select %and3A_28, %add3A_29, %rem3A_21 : i32
    %mul3A_31 = arith.constant 16256 : i32
    %mul3A_32 = arith.muli %add3A, %mul3A_31 : i32
    %dma_start3A = tpu.memref_slice %arg2[%mul3A_32] : memref<520192xi32, #tpu.memory_space<hbm>> -> memref<16256xi32, #tpu.memory_space<hbm>>
    %dma_start3A_33 = tpu.memref_slice %arg2[%mul3A_32] : memref<520192xi32, #tpu.memory_space<hbm>> -> memref<16256xi32, #tpu.memory_space<hbm>>
    tpu.enqueue_dma source(%dma_start3A_33 : memref<16256xi32, #tpu.memory_space<hbm>>) target(%arg5 : memref<16256xi32, #tpu.memory_space<vmem>>) target_semaphore(%arg7 : memref<!tpu.dma_semaphore, #tpu.memory_space<semaphore_mem>>)
    %dma_wait3A = tpu.memref_slice %arg2[%mul3A_32] : memref<520192xi32, #tpu.memory_space<hbm>> -> memref<16256xi32, #tpu.memory_space<hbm>>
    %dma_wait3A_34 = tpu.memref_slice %arg2[%mul3A_32] : memref<520192xi32, #tpu.memory_space<hbm>> -> memref<16256xi32, #tpu.memory_space<hbm>>
    tpu.wait_dma2 semaphore(%arg7 : memref<!tpu.dma_semaphore, #tpu.memory_space<semaphore_mem>>) src(%dma_wait3A_34 : memref<16256xi32, #tpu.memory_space<hbm>>) dst(%arg5 : memref<16256xi32, #tpu.memory_space<vmem>>)
    %mul3A_35 = arith.constant 16256 : i32
    %mul3A_36 = arith.muli %select_n3A_30, %mul3A_35 : i32
    %scan3A = arith.constant 0 : i32
    %scan3A_37 = arith.constant 0 : i32
    %scan3A_38 = arith.constant 2 : i32
    %scan3A_39 = arith.addi %scan3A_37, %scan3A_38 : i32
    %scan3A_40 = arith.constant 1 : i32
    %scan3A_41 = scf.for %scan3A_420 = %scan3A_37 to %scan3A_39 step %scan3A_40 iter_args(%scan3A_421 = %scan3A) -> (i32)  : i32 {
      %add3A_422 = arith.constant 0 : i32
      %add3A_423 = arith.addi %add3A_422, %scan3A_420 : i32
      %mul3A_424 = arith.constant 1016 : i32
      %mul3A_425 = arith.muli %add3A_423, %mul3A_424 : i32
      %mul3A_426 = arith.constant 1016 : i32
      %mul3A_427 = arith.muli %scan3A_420, %mul3A_426 : i32
      %dma_start3A_428 = arith.constant 0 : i32
      %dma_start3A_429 = arith.constant 0 : i32
      %dma_start3A_430 = tpu.memref_slice %arg6[%dma_start3A_428, %mul3A_427, %dma_start3A_429] : memref<2x2032x16xf32, #tpu.memory_space<vmem>> -> memref<1x1016x16xf32, #tpu.memory_space<vmem>>
      %dma_start3A_431 = tpu.memref_squeeze %dma_start3A_430 : memref<1x1016x16xf32, #tpu.memory_space<vmem>> -> memref<1016x16xf32, #tpu.memory_space<vmem>>
      %dma_start3A_432 = tpu.memref_slice %arg5[%mul3A_425] : memref<16256xi32, #tpu.memory_space<vmem>> -> memref<1016xi32, #tpu.memory_space<vmem>>
      %dma_start3A_433 = arith.constant 0 : i32
      %dma_start3A_434 = arith.constant 0 : i32
      %dma_start3A_435 = tpu.memref_slice %arg3[%dma_start3A_433, %dma_start3A_434] : memref<1233920x16xf32, #tpu.memory_space<hbm>> -> memref<1233920x16xf32, #tpu.memory_space<hbm>>
      tpu.enqueue_indirect_dma source(%dma_start3A_435 : memref<1233920x16xf32, #tpu.memory_space<hbm>>) target(%dma_start3A_431 : memref<1016x16xf32, #tpu.memory_space<vmem>>) offsets(%dma_start3A_432 : memref<1016xi32, #tpu.memory_space<vmem>>) semaphore(%arg8 : memref<!tpu.dma_semaphore, #tpu.memory_space<semaphore_mem>>)
      %scan3A_436 = arith.constant 0 : i32
      scf.yield %scan3A_436 : i32
    }
    %scan3A_42 = arith.constant 2 : i32
    %scan3A_43 = arith.constant 0 : i32
    %scan3A_44 = arith.constant 0 : i32
    %scan3A_45 = arith.constant 2 : i32
    %scan3A_46 = arith.addi %scan3A_44, %scan3A_45 : i32
    %scan3A_47 = arith.constant 1 : i32
    %scan3A_48 = scf.for %scan3A_420 = %scan3A_44 to %scan3A_46 step %scan3A_47 iter_args(%scan3A_421 = %scan3A_43) -> (i32)  : i32 {
      %add3A_422 = arith.constant 0 : i32
      %add3A_423 = arith.addi %add3A_422, %scan3A_420 : i32
      %mul3A_424 = arith.constant 1016 : i32
      %mul3A_425 = arith.muli %add3A_423, %mul3A_424 : i32
      %mul3A_426 = arith.constant 1016 : i32
      %mul3A_427 = arith.muli %scan3A_420, %mul3A_426 : i32
      %dma_wait3A_428 = arith.constant 0 : i32
      %dma_wait3A_429 = arith.constant 0 : i32
      %dma_wait3A_430 = tpu.memref_slice %arg6[%dma_wait3A_428, %mul3A_427, %dma_wait3A_429] : memref<2x2032x16xf32, #tpu.memory_space<vmem>> -> memref<1x1016x16xf32, #tpu.memory_space<vmem>>
      %dma_wait3A_431 = tpu.memref_squeeze %dma_wait3A_430 : memref<1x1016x16xf32, #tpu.memory_space<vmem>> -> memref<1016x16xf32, #tpu.memory_space<vmem>>
      %dma_wait3A_432 = tpu.memref_slice %arg5[%mul3A_425] : memref<16256xi32, #tpu.memory_space<vmem>> -> memref<1016xi32, #tpu.memory_space<vmem>>
      %dma_wait3A_433 = arith.constant 0 : i32
      %dma_wait3A_434 = arith.constant 0 : i32
      %dma_wait3A_435 = tpu.memref_slice %arg3[%dma_wait3A_433, %dma_wait3A_434] : memref<1233920x16xf32, #tpu.memory_space<hbm>> -> memref<1233920x16xf32, #tpu.memory_space<hbm>>
      tpu.wait_indirect_dma semaphore(%arg8 : memref<!tpu.dma_semaphore, #tpu.memory_space<semaphore_mem>>) src(%dma_wait3A_435 : memref<1233920x16xf32, #tpu.memory_space<hbm>>) dst(%dma_wait3A_431 : memref<1016x16xf32, #tpu.memory_space<vmem>>)
      %scan3A_436 = arith.constant 0 : i32
      scf.yield %scan3A_436 : i32
    }
    %scan3A_49 = arith.constant 2 : i32
    %add3A_50 = arith.constant 0 : i32
    %add3A_51 = arith.addi %mul3A_36, %add3A_50 : i32
    %dma_start3A_52 = arith.constant 0 : i32
    %dma_start3A_53 = arith.constant 0 : i32
    %dma_start3A_54 = arith.constant 0 : i32
    %dma_start3A_55 = tpu.memref_slice %arg6[%dma_start3A_52, %dma_start3A_53, %dma_start3A_54] : memref<2x2032x16xf32, #tpu.memory_space<vmem>> -> memref<1x2032x16xf32, #tpu.memory_space<vmem>>
    %dma_start3A_56 = tpu.memref_squeeze %dma_start3A_55 : memref<1x2032x16xf32, #tpu.memory_space<vmem>> -> memref<2032x16xf32, #tpu.memory_space<vmem>>
    %dma_start3A_57 = arith.constant 0 : i32
    %dma_start3A_58 = tpu.memref_slice %arg4[%select_n3A, %add3A_51, %dma_start3A_57] : memref<4x130048x16xf32, #tpu.memory_space<hbm>> -> memref<1x2032x16xf32, #tpu.memory_space<hbm>>
    %dma_start3A_59 = tpu.memref_squeeze %dma_start3A_58 : memref<1x2032x16xf32, #tpu.memory_space<hbm>> -> memref<2032x16xf32, #tpu.memory_space<hbm>>
    %dma_start3A_60 = arith.constant 0 : i32
    %dma_start3A_61 = tpu.memref_slice %arg4[%select_n3A, %add3A_51, %dma_start3A_60] : memref<4x130048x16xf32, #tpu.memory_space<hbm>> -> memref<1x2032x16xf32, #tpu.memory_space<hbm>>
    %dma_start3A_62 = tpu.memref_squeeze %dma_start3A_61 : memref<1x2032x16xf32, #tpu.memory_space<hbm>> -> memref<2032x16xf32, #tpu.memory_space<hbm>>
    %dma_start3A_63 = arith.constant 0 : i32
    %dma_start3A_64 = arith.constant 0 : i32
    %dma_start3A_65 = tpu.memref_slice %arg6[%dma_start3A_52, %dma_start3A_63, %dma_start3A_64] : memref<2x2032x16xf32, #tpu.memory_space<vmem>> -> memref<1x2032x16xf32, #tpu.memory_space<vmem>>
    %dma_start3A_66 = tpu.memref_squeeze %dma_start3A_65 : memref<1x2032x16xf32, #tpu.memory_space<vmem>> -> memref<2032x16xf32, #tpu.memory_space<vmem>>
    tpu.enqueue_dma source(%dma_start3A_66 : memref<2032x16xf32, #tpu.memory_space<vmem>>) target(%dma_start3A_62 : memref<2032x16xf32, #tpu.memory_space<hbm>>) target_semaphore(%arg9 : memref<!tpu.dma_semaphore, #tpu.memory_space<semaphore_mem>>)
    %scan3A_67 = arith.constant 0 : i32
    %scan3A_68 = arith.constant 0 : i32
    %scan3A_69 = arith.constant 2 : i32
    %scan3A_70 = arith.addi %scan3A_68, %scan3A_69 : i32
    %scan3A_71 = arith.constant 1 : i32
    %scan3A_72 = scf.for %scan3A_420 = %scan3A_68 to %scan3A_70 step %scan3A_71 iter_args(%scan3A_421 = %scan3A_67) -> (i32)  : i32 {
      %add3A_422 = arith.constant 2 : i32
      %add3A_423 = arith.addi %add3A_422, %scan3A_420 : i32
      %mul3A_424 = arith.constant 1016 : i32
      %mul3A_425 = arith.muli %add3A_423, %mul3A_424 : i32
      %mul3A_426 = arith.constant 1016 : i32
      %mul3A_427 = arith.muli %scan3A_420, %mul3A_426 : i32
      %dma_start3A_428 = arith.constant 1 : i32
      %dma_start3A_429 = arith.constant 0 : i32
      %dma_start3A_430 = tpu.memref_slice %arg6[%dma_start3A_428, %mul3A_427, %dma_start3A_429] : memref<2x2032x16xf32, #tpu.memory_space<vmem>> -> memref<1x1016x16xf32, #tpu.memory_space<vmem>>
      %dma_start3A_431 = tpu.memref_squeeze %dma_start3A_430 : memref<1x1016x16xf32, #tpu.memory_space<vmem>> -> memref<1016x16xf32, #tpu.memory_space<vmem>>
      %dma_start3A_432 = tpu.memref_slice %arg5[%mul3A_425] : memref<16256xi32, #tpu.memory_space<vmem>> -> memref<1016xi32, #tpu.memory_space<vmem>>
      %dma_start3A_433 = arith.constant 0 : i32
      %dma_start3A_434 = arith.constant 0 : i32
      %dma_start3A_435 = tpu.memref_slice %arg3[%dma_start3A_433, %dma_start3A_434] : memref<1233920x16xf32, #tpu.memory_space<hbm>> -> memref<1233920x16xf32, #tpu.memory_space<hbm>>
      tpu.enqueue_indirect_dma source(%dma_start3A_435 : memref<1233920x16xf32, #tpu.memory_space<hbm>>) target(%dma_start3A_431 : memref<1016x16xf32, #tpu.memory_space<vmem>>) offsets(%dma_start3A_432 : memref<1016xi32, #tpu.memory_space<vmem>>) semaphore(%arg8 : memref<!tpu.dma_semaphore, #tpu.memory_space<semaphore_mem>>)
      %scan3A_436 = arith.constant 0 : i32
      scf.yield %scan3A_436 : i32
    }
    %scan3A_73 = arith.constant 2 : i32
    %scan3A_74 = arith.constant 0 : i32
    %scan3A_75 = arith.constant 0 : i32
    %scan3A_76 = arith.constant 2 : i32
    %scan3A_77 = arith.addi %scan3A_75, %scan3A_76 : i32
    %scan3A_78 = arith.constant 1 : i32
    %scan3A_79 = scf.for %scan3A_420 = %scan3A_75 to %scan3A_77 step %scan3A_78 iter_args(%scan3A_421 = %scan3A_74) -> (i32)  : i32 {
      %add3A_422 = arith.constant 2 : i32
      %add3A_423 = arith.addi %add3A_422, %scan3A_420 : i32
      %mul3A_424 = arith.constant 1016 : i32
      %mul3A_425 = arith.muli %add3A_423, %mul3A_424 : i32
      %mul3A_426 = arith.constant 1016 : i32
      %mul3A_427 = arith.muli %scan3A_420, %mul3A_426 : i32
      %dma_wait3A_428 = arith.constant 1 : i32
      %dma_wait3A_429 = arith.constant 0 : i32
      %dma_wait3A_430 = tpu.memref_slice %arg6[%dma_wait3A_428, %mul3A_427, %dma_wait3A_429] : memref<2x2032x16xf32, #tpu.memory_space<vmem>> -> memref<1x1016x16xf32, #tpu.memory_space<vmem>>
      %dma_wait3A_431 = tpu.memref_squeeze %dma_wait3A_430 : memref<1x1016x16xf32, #tpu.memory_space<vmem>> -> memref<1016x16xf32, #tpu.memory_space<vmem>>
      %dma_wait3A_432 = tpu.memref_slice %arg5[%mul3A_425] : memref<16256xi32, #tpu.memory_space<vmem>> -> memref<1016xi32, #tpu.memory_space<vmem>>
      %dma_wait3A_433 = arith.constant 0 : i32
      %dma_wait3A_434 = arith.constant 0 : i32
      %dma_wait3A_435 = tpu.memref_slice %arg3[%dma_wait3A_433, %dma_wait3A_434] : memref<1233920x16xf32, #tpu.memory_space<hbm>> -> memref<1233920x16xf32, #tpu.memory_space<hbm>>
      tpu.wait_indirect_dma semaphore(%arg8 : memref<!tpu.dma_semaphore, #tpu.memory_space<semaphore_mem>>) src(%dma_wait3A_435 : memref<1233920x16xf32, #tpu.memory_space<hbm>>) dst(%dma_wait3A_431 : memref<1016x16xf32, #tpu.memory_space<vmem>>)
      %scan3A_436 = arith.constant 0 : i32
      scf.yield %scan3A_436 : i32
    }
    %scan3A_80 = arith.constant 2 : i32
    %add3A_81 = arith.constant 2032 : i32
    %add3A_82 = arith.addi %mul3A_36, %add3A_81 : i32
    %dma_start3A_83 = arith.constant 1 : i32
    %dma_start3A_84 = arith.constant 0 : i32
    %dma_start3A_85 = arith.constant 0 : i32
    %dma_start3A_86 = tpu.memref_slice %arg6[%dma_start3A_83, %dma_start3A_84, %dma_start3A_85] : memref<2x2032x16xf32, #tpu.memory_space<vmem>> -> memref<1x2032x16xf32, #tpu.memory_space<vmem>>
    %dma_start3A_87 = tpu.memref_squeeze %dma_start3A_86 : memref<1x2032x16xf32, #tpu.memory_space<vmem>> -> memref<2032x16xf32, #tpu.memory_space<vmem>>
    %dma_start3A_88 = arith.constant 0 : i32
    %dma_start3A_89 = tpu.memref_slice %arg4[%select_n3A, %add3A_82, %dma_start3A_88] : memref<4x130048x16xf32, #tpu.memory_space<hbm>> -> memref<1x2032x16xf32, #tpu.memory_space<hbm>>
    %dma_start3A_90 = tpu.memref_squeeze %dma_start3A_89 : memref<1x2032x16xf32, #tpu.memory_space<hbm>> -> memref<2032x16xf32, #tpu.memory_space<hbm>>
    %dma_start3A_91 = arith.constant 0 : i32
    %dma_start3A_92 = tpu.memref_slice %arg4[%select_n3A, %add3A_82, %dma_start3A_91] : memref<4x130048x16xf32, #tpu.memory_space<hbm>> -> memref<1x2032x16xf32, #tpu.memory_space<hbm>>
    %dma_start3A_93 = tpu.memref_squeeze %dma_start3A_92 : memref<1x2032x16xf32, #tpu.memory_space<hbm>> -> memref<2032x16xf32, #tpu.memory_space<hbm>>
    %dma_start3A_94 = arith.constant 0 : i32
    %dma_start3A_95 = arith.constant 0 : i32
    %dma_start3A_96 = tpu.memref_slice %arg6[%dma_start3A_83, %dma_start3A_94, %dma_start3A_95] : memref<2x2032x16xf32, #tpu.memory_space<vmem>> -> memref<1x2032x16xf32, #tpu.memory_space<vmem>>
    %dma_start3A_97 = tpu.memref_squeeze %dma_start3A_96 : memref<1x2032x16xf32, #tpu.memory_space<vmem>> -> memref<2032x16xf32, #tpu.memory_space<vmem>>
    tpu.enqueue_dma source(%dma_start3A_97 : memref<2032x16xf32, #tpu.memory_space<vmem>>) target(%dma_start3A_93 : memref<2032x16xf32, #tpu.memory_space<hbm>>) target_semaphore(%arg10 : memref<!tpu.dma_semaphore, #tpu.memory_space<semaphore_mem>>)
    %add3A_98 = arith.constant 0 : i32
    %add3A_99 = arith.addi %mul3A_36, %add3A_98 : i32
    %dma_wait3A_100 = arith.constant 0 : i32
    %dma_wait3A_101 = arith.constant 0 : i32
    %dma_wait3A_102 = arith.constant 0 : i32
    %dma_wait3A_103 = tpu.memref_slice %arg6[%dma_wait3A_100, %dma_wait3A_101, %dma_wait3A_102] : memref<2x2032x16xf32, #tpu.memory_space<vmem>> -> memref<1x2032x16xf32, #tpu.memory_space<vmem>>
    %dma_wait3A_104 = tpu.memref_squeeze %dma_wait3A_103 : memref<1x2032x16xf32, #tpu.memory_space<vmem>> -> memref<2032x16xf32, #tpu.memory_space<vmem>>
    %dma_wait3A_105 = arith.constant 0 : i32
    %dma_wait3A_106 = tpu.memref_slice %arg4[%select_n3A, %add3A_99, %dma_wait3A_105] : memref<4x130048x16xf32, #tpu.memory_space<hbm>> -> memref<1x2032x16xf32, #tpu.memory_space<hbm>>
    %dma_wait3A_107 = tpu.memref_squeeze %dma_wait3A_106 : memref<1x2032x16xf32, #tpu.memory_space<hbm>> -> memref<2032x16xf32, #tpu.memory_space<hbm>>
    %dma_wait3A_108 = arith.constant 0 : i32
    %dma_wait3A_109 = tpu.memref_slice %arg4[%select_n3A, %add3A_99, %dma_wait3A_108] : memref<4x130048x16xf32, #tpu.memory_space<hbm>> -> memref<1x2032x16xf32, #tpu.memory_space<hbm>>
    %dma_wait3A_110 = tpu.memref_squeeze %dma_wait3A_109 : memref<1x2032x16xf32, #tpu.memory_space<hbm>> -> memref<2032x16xf32, #tpu.memory_space<hbm>>
    %dma_wait3A_111 = arith.constant 0 : i32
    %dma_wait3A_112 = arith.constant 0 : i32
    %dma_wait3A_113 = tpu.memref_slice %arg6[%dma_wait3A_100, %dma_wait3A_111, %dma_wait3A_112] : memref<2x2032x16xf32, #tpu.memory_space<vmem>> -> memref<1x2032x16xf32, #tpu.memory_space<vmem>>
    %dma_wait3A_114 = tpu.memref_squeeze %dma_wait3A_113 : memref<1x2032x16xf32, #tpu.memory_space<vmem>> -> memref<2032x16xf32, #tpu.memory_space<vmem>>
    tpu.wait_dma2 semaphore(%arg9 : memref<!tpu.dma_semaphore, #tpu.memory_space<semaphore_mem>>) src(%dma_wait3A_114 : memref<2032x16xf32, #tpu.memory_space<vmem>>) dst(%dma_wait3A_110 : memref<2032x16xf32, #tpu.memory_space<hbm>>)
    %scan3A_115 = arith.constant 0 : i32
    %scan3A_116 = arith.constant 0 : i32
    %scan3A_117 = arith.constant 2 : i32
    %scan3A_118 = arith.addi %scan3A_116, %scan3A_117 : i32
    %scan3A_119 = arith.constant 1 : i32
    %scan3A_120 = scf.for %scan3A_420 = %scan3A_116 to %scan3A_118 step %scan3A_119 iter_args(%scan3A_421 = %scan3A_115) -> (i32)  : i32 {
      %add3A_422 = arith.constant 4 : i32
      %add3A_423 = arith.addi %add3A_422, %scan3A_420 : i32
      %mul3A_424 = arith.constant 1016 : i32
      %mul3A_425 = arith.muli %add3A_423, %mul3A_424 : i32
      %mul3A_426 = arith.constant 1016 : i32
      %mul3A_427 = arith.muli %scan3A_420, %mul3A_426 : i32
      %dma_start3A_428 = arith.constant 0 : i32
      %dma_start3A_429 = arith.constant 0 : i32
      %dma_start3A_430 = tpu.memref_slice %arg6[%dma_start3A_428, %mul3A_427, %dma_start3A_429] : memref<2x2032x16xf32, #tpu.memory_space<vmem>> -> memref<1x1016x16xf32, #tpu.memory_space<vmem>>
      %dma_start3A_431 = tpu.memref_squeeze %dma_start3A_430 : memref<1x1016x16xf32, #tpu.memory_space<vmem>> -> memref<1016x16xf32, #tpu.memory_space<vmem>>
      %dma_start3A_432 = tpu.memref_slice %arg5[%mul3A_425] : memref<16256xi32, #tpu.memory_space<vmem>> -> memref<1016xi32, #tpu.memory_space<vmem>>
      %dma_start3A_433 = arith.constant 0 : i32
      %dma_start3A_434 = arith.constant 0 : i32
      %dma_start3A_435 = tpu.memref_slice %arg3[%dma_start3A_433, %dma_start3A_434] : memref<1233920x16xf32, #tpu.memory_space<hbm>> -> memref<1233920x16xf32, #tpu.memory_space<hbm>>
      tpu.enqueue_indirect_dma source(%dma_start3A_435 : memref<1233920x16xf32, #tpu.memory_space<hbm>>) target(%dma_start3A_431 : memref<1016x16xf32, #tpu.memory_space<vmem>>) offsets(%dma_start3A_432 : memref<1016xi32, #tpu.memory_space<vmem>>) semaphore(%arg8 : memref<!tpu.dma_semaphore, #tpu.memory_space<semaphore_mem>>)
      %scan3A_436 = arith.constant 0 : i32
      scf.yield %scan3A_436 : i32
    }
    %scan3A_121 = arith.constant 2 : i32
    %scan3A_122 = arith.constant 0 : i32
    %scan3A_123 = arith.constant 0 : i32
    %scan3A_124 = arith.constant 2 : i32
    %scan3A_125 = arith.addi %scan3A_123, %scan3A_124 : i32
    %scan3A_126 = arith.constant 1 : i32
    %scan3A_127 = scf.for %scan3A_420 = %scan3A_123 to %scan3A_125 step %scan3A_126 iter_args(%scan3A_421 = %scan3A_122) -> (i32)  : i32 {
      %add3A_422 = arith.constant 4 : i32
      %add3A_423 = arith.addi %add3A_422, %scan3A_420 : i32
      %mul3A_424 = arith.constant 1016 : i32
      %mul3A_425 = arith.muli %add3A_423, %mul3A_424 : i32
      %mul3A_426 = arith.constant 1016 : i32
      %mul3A_427 = arith.muli %scan3A_420, %mul3A_426 : i32
      %dma_wait3A_428 = arith.constant 0 : i32
      %dma_wait3A_429 = arith.constant 0 : i32
      %dma_wait3A_430 = tpu.memref_slice %arg6[%dma_wait3A_428, %mul3A_427, %dma_wait3A_429] : memref<2x2032x16xf32, #tpu.memory_space<vmem>> -> memref<1x1016x16xf32, #tpu.memory_space<vmem>>
      %dma_wait3A_431 = tpu.memref_squeeze %dma_wait3A_430 : memref<1x1016x16xf32, #tpu.memory_space<vmem>> -> memref<1016x16xf32, #tpu.memory_space<vmem>>
      %dma_wait3A_432 = tpu.memref_slice %arg5[%mul3A_425] : memref<16256xi32, #tpu.memory_space<vmem>> -> memref<1016xi32, #tpu.memory_space<vmem>>
      %dma_wait3A_433 = arith.constant 0 : i32
      %dma_wait3A_434 = arith.constant 0 : i32
      %dma_wait3A_435 = tpu.memref_slice %arg3[%dma_wait3A_433, %dma_wait3A_434] : memref<1233920x16xf32, #tpu.memory_space<hbm>> -> memref<1233920x16xf32, #tpu.memory_space<hbm>>
      tpu.wait_indirect_dma semaphore(%arg8 : memref<!tpu.dma_semaphore, #tpu.memory_space<semaphore_mem>>) src(%dma_wait3A_435 : memref<1233920x16xf32, #tpu.memory_space<hbm>>) dst(%dma_wait3A_431 : memref<1016x16xf32, #tpu.memory_space<vmem>>)
      %scan3A_436 = arith.constant 0 : i32
      scf.yield %scan3A_436 : i32
    }
    %scan3A_128 = arith.constant 2 : i32
    %add3A_129 = arith.constant 4064 : i32
    %add3A_130 = arith.addi %mul3A_36, %add3A_129 : i32
    %dma_start3A_131 = arith.constant 0 : i32
    %dma_start3A_132 = arith.constant 0 : i32
    %dma_start3A_133 = arith.constant 0 : i32
    %dma_start3A_134 = tpu.memref_slice %arg6[%dma_start3A_131, %dma_start3A_132, %dma_start3A_133] : memref<2x2032x16xf32, #tpu.memory_space<vmem>> -> memref<1x2032x16xf32, #tpu.memory_space<vmem>>
    %dma_start3A_135 = tpu.memref_squeeze %dma_start3A_134 : memref<1x2032x16xf32, #tpu.memory_space<vmem>> -> memref<2032x16xf32, #tpu.memory_space<vmem>>
    %dma_start3A_136 = arith.constant 0 : i32
    %dma_start3A_137 = tpu.memref_slice %arg4[%select_n3A, %add3A_130, %dma_start3A_136] : memref<4x130048x16xf32, #tpu.memory_space<hbm>> -> memref<1x2032x16xf32, #tpu.memory_space<hbm>>
    %dma_start3A_138 = tpu.memref_squeeze %dma_start3A_137 : memref<1x2032x16xf32, #tpu.memory_space<hbm>> -> memref<2032x16xf32, #tpu.memory_space<hbm>>
    %dma_start3A_139 = arith.constant 0 : i32
    %dma_start3A_140 = tpu.memref_slice %arg4[%select_n3A, %add3A_130, %dma_start3A_139] : memref<4x130048x16xf32, #tpu.memory_space<hbm>> -> memref<1x2032x16xf32, #tpu.memory_space<hbm>>
    %dma_start3A_141 = tpu.memref_squeeze %dma_start3A_140 : memref<1x2032x16xf32, #tpu.memory_space<hbm>> -> memref<2032x16xf32, #tpu.memory_space<hbm>>
    %dma_start3A_142 = arith.constant 0 : i32
    %dma_start3A_143 = arith.constant 0 : i32
    %dma_start3A_144 = tpu.memref_slice %arg6[%dma_start3A_131, %dma_start3A_142, %dma_start3A_143] : memref<2x2032x16xf32, #tpu.memory_space<vmem>> -> memref<1x2032x16xf32, #tpu.memory_space<vmem>>
    %dma_start3A_145 = tpu.memref_squeeze %dma_start3A_144 : memref<1x2032x16xf32, #tpu.memory_space<vmem>> -> memref<2032x16xf32, #tpu.memory_space<vmem>>
    tpu.enqueue_dma source(%dma_start3A_145 : memref<2032x16xf32, #tpu.memory_space<vmem>>) target(%dma_start3A_141 : memref<2032x16xf32, #tpu.memory_space<hbm>>) target_semaphore(%arg9 : memref<!tpu.dma_semaphore, #tpu.memory_space<semaphore_mem>>)
    %add3A_146 = arith.constant 2032 : i32
    %add3A_147 = arith.addi %mul3A_36, %add3A_146 : i32
    %dma_wait3A_148 = arith.constant 1 : i32
    %dma_wait3A_149 = arith.constant 0 : i32
    %dma_wait3A_150 = arith.constant 0 : i32
    %dma_wait3A_151 = tpu.memref_slice %arg6[%dma_wait3A_148, %dma_wait3A_149, %dma_wait3A_150] : memref<2x2032x16xf32, #tpu.memory_space<vmem>> -> memref<1x2032x16xf32, #tpu.memory_space<vmem>>
    %dma_wait3A_152 = tpu.memref_squeeze %dma_wait3A_151 : memref<1x2032x16xf32, #tpu.memory_space<vmem>> -> memref<2032x16xf32, #tpu.memory_space<vmem>>
    %dma_wait3A_153 = arith.constant 0 : i32
    %dma_wait3A_154 = tpu.memref_slice %arg4[%select_n3A, %add3A_147, %dma_wait3A_153] : memref<4x130048x16xf32, #tpu.memory_space<hbm>> -> memref<1x2032x16xf32, #tpu.memory_space<hbm>>
    %dma_wait3A_155 = tpu.memref_squeeze %dma_wait3A_154 : memref<1x2032x16xf32, #tpu.memory_space<hbm>> -> memref<2032x16xf32, #tpu.memory_space<hbm>>
    %dma_wait3A_156 = arith.constant 0 : i32
    %dma_wait3A_157 = tpu.memref_slice %arg4[%select_n3A, %add3A_147, %dma_wait3A_156] : memref<4x130048x16xf32, #tpu.memory_space<hbm>> -> memref<1x2032x16xf32, #tpu.memory_space<hbm>>
    %dma_wait3A_158 = tpu.memref_squeeze %dma_wait3A_157 : memref<1x2032x16xf32, #tpu.memory_space<hbm>> -> memref<2032x16xf32, #tpu.memory_space<hbm>>
    %dma_wait3A_159 = arith.constant 0 : i32
    %dma_wait3A_160 = arith.constant 0 : i32
    %dma_wait3A_161 = tpu.memref_slice %arg6[%dma_wait3A_148, %dma_wait3A_159, %dma_wait3A_160] : memref<2x2032x16xf32, #tpu.memory_space<vmem>> -> memref<1x2032x16xf32, #tpu.memory_space<vmem>>
    %dma_wait3A_162 = tpu.memref_squeeze %dma_wait3A_161 : memref<1x2032x16xf32, #tpu.memory_space<vmem>> -> memref<2032x16xf32, #tpu.memory_space<vmem>>
    tpu.wait_dma2 semaphore(%arg10 : memref<!tpu.dma_semaphore, #tpu.memory_space<semaphore_mem>>) src(%dma_wait3A_162 : memref<2032x16xf32, #tpu.memory_space<vmem>>) dst(%dma_wait3A_158 : memref<2032x16xf32, #tpu.memory_space<hbm>>)
    %scan3A_163 = arith.constant 0 : i32
    %scan3A_164 = arith.constant 0 : i32
    %scan3A_165 = arith.constant 2 : i32
    %scan3A_166 = arith.addi %scan3A_164, %scan3A_165 : i32
    %scan3A_167 = arith.constant 1 : i32
    %scan3A_168 = scf.for %scan3A_420 = %scan3A_164 to %scan3A_166 step %scan3A_167 iter_args(%scan3A_421 = %scan3A_163) -> (i32)  : i32 {
      %add3A_422 = arith.constant 6 : i32
      %add3A_423 = arith.addi %add3A_422, %scan3A_420 : i32
      %mul3A_424 = arith.constant 1016 : i32
      %mul3A_425 = arith.muli %add3A_423, %mul3A_424 : i32
      %mul3A_426 = arith.constant 1016 : i32
      %mul3A_427 = arith.muli %scan3A_420, %mul3A_426 : i32
      %dma_start3A_428 = arith.constant 1 : i32
      %dma_start3A_429 = arith.constant 0 : i32
      %dma_start3A_430 = tpu.memref_slice %arg6[%dma_start3A_428, %mul3A_427, %dma_start3A_429] : memref<2x2032x16xf32, #tpu.memory_space<vmem>> -> memref<1x1016x16xf32, #tpu.memory_space<vmem>>
      %dma_start3A_431 = tpu.memref_squeeze %dma_start3A_430 : memref<1x1016x16xf32, #tpu.memory_space<vmem>> -> memref<1016x16xf32, #tpu.memory_space<vmem>>
      %dma_start3A_432 = tpu.memref_slice %arg5[%mul3A_425] : memref<16256xi32, #tpu.memory_space<vmem>> -> memref<1016xi32, #tpu.memory_space<vmem>>
      %dma_start3A_433 = arith.constant 0 : i32
      %dma_start3A_434 = arith.constant 0 : i32
      %dma_start3A_435 = tpu.memref_slice %arg3[%dma_start3A_433, %dma_start3A_434] : memref<1233920x16xf32, #tpu.memory_space<hbm>> -> memref<1233920x16xf32, #tpu.memory_space<hbm>>
      tpu.enqueue_indirect_dma source(%dma_start3A_435 : memref<1233920x16xf32, #tpu.memory_space<hbm>>) target(%dma_start3A_431 : memref<1016x16xf32, #tpu.memory_space<vmem>>) offsets(%dma_start3A_432 : memref<1016xi32, #tpu.memory_space<vmem>>) semaphore(%arg8 : memref<!tpu.dma_semaphore, #tpu.memory_space<semaphore_mem>>)
      %scan3A_436 = arith.constant 0 : i32
      scf.yield %scan3A_436 : i32
    }
    %scan3A_169 = arith.constant 2 : i32
    %scan3A_170 = arith.constant 0 : i32
    %scan3A_171 = arith.constant 0 : i32
    %scan3A_172 = arith.constant 2 : i32
    %scan3A_173 = arith.addi %scan3A_171, %scan3A_172 : i32
    %scan3A_174 = arith.constant 1 : i32
    %scan3A_175 = scf.for %scan3A_420 = %scan3A_171 to %scan3A_173 step %scan3A_174 iter_args(%scan3A_421 = %scan3A_170) -> (i32)  : i32 {
      %add3A_422 = arith.constant 6 : i32
      %add3A_423 = arith.addi %add3A_422, %scan3A_420 : i32
      %mul3A_424 = arith.constant 1016 : i32
      %mul3A_425 = arith.muli %add3A_423, %mul3A_424 : i32
      %mul3A_426 = arith.constant 1016 : i32
      %mul3A_427 = arith.muli %scan3A_420, %mul3A_426 : i32
      %dma_wait3A_428 = arith.constant 1 : i32
      %dma_wait3A_429 = arith.constant 0 : i32
      %dma_wait3A_430 = tpu.memref_slice %arg6[%dma_wait3A_428, %mul3A_427, %dma_wait3A_429] : memref<2x2032x16xf32, #tpu.memory_space<vmem>> -> memref<1x1016x16xf32, #tpu.memory_space<vmem>>
      %dma_wait3A_431 = tpu.memref_squeeze %dma_wait3A_430 : memref<1x1016x16xf32, #tpu.memory_space<vmem>> -> memref<1016x16xf32, #tpu.memory_space<vmem>>
      %dma_wait3A_432 = tpu.memref_slice %arg5[%mul3A_425] : memref<16256xi32, #tpu.memory_space<vmem>> -> memref<1016xi32, #tpu.memory_space<vmem>>
      %dma_wait3A_433 = arith.constant 0 : i32
      %dma_wait3A_434 = arith.constant 0 : i32
      %dma_wait3A_435 = tpu.memref_slice %arg3[%dma_wait3A_433, %dma_wait3A_434] : memref<1233920x16xf32, #tpu.memory_space<hbm>> -> memref<1233920x16xf32, #tpu.memory_space<hbm>>
      tpu.wait_indirect_dma semaphore(%arg8 : memref<!tpu.dma_semaphore, #tpu.memory_space<semaphore_mem>>) src(%dma_wait3A_435 : memref<1233920x16xf32, #tpu.memory_space<hbm>>) dst(%dma_wait3A_431 : memref<1016x16xf32, #tpu.memory_space<vmem>>)
      %scan3A_436 = arith.constant 0 : i32
      scf.yield %scan3A_436 : i32
    }
    %scan3A_176 = arith.constant 2 : i32
    %add3A_177 = arith.constant 6096 : i32
    %add3A_178 = arith.addi %mul3A_36, %add3A_177 : i32
    %dma_start3A_179 = arith.constant 1 : i32
    %dma_start3A_180 = arith.constant 0 : i32
    %dma_start3A_181 = arith.constant 0 : i32
    %dma_start3A_182 = tpu.memref_slice %arg6[%dma_start3A_179, %dma_start3A_180, %dma_start3A_181] : memref<2x2032x16xf32, #tpu.memory_space<vmem>> -> memref<1x2032x16xf32, #tpu.memory_space<vmem>>
    %dma_start3A_183 = tpu.memref_squeeze %dma_start3A_182 : memref<1x2032x16xf32, #tpu.memory_space<vmem>> -> memref<2032x16xf32, #tpu.memory_space<vmem>>
    %dma_start3A_184 = arith.constant 0 : i32
    %dma_start3A_185 = tpu.memref_slice %arg4[%select_n3A, %add3A_178, %dma_start3A_184] : memref<4x130048x16xf32, #tpu.memory_space<hbm>> -> memref<1x2032x16xf32, #tpu.memory_space<hbm>>
    %dma_start3A_186 = tpu.memref_squeeze %dma_start3A_185 : memref<1x2032x16xf32, #tpu.memory_space<hbm>> -> memref<2032x16xf32, #tpu.memory_space<hbm>>
    %dma_start3A_187 = arith.constant 0 : i32
    %dma_start3A_188 = tpu.memref_slice %arg4[%select_n3A, %add3A_178, %dma_start3A_187] : memref<4x130048x16xf32, #tpu.memory_space<hbm>> -> memref<1x2032x16xf32, #tpu.memory_space<hbm>>
    %dma_start3A_189 = tpu.memref_squeeze %dma_start3A_188 : memref<1x2032x16xf32, #tpu.memory_space<hbm>> -> memref<2032x16xf32, #tpu.memory_space<hbm>>
    %dma_start3A_190 = arith.constant 0 : i32
    %dma_start3A_191 = arith.constant 0 : i32
    %dma_start3A_192 = tpu.memref_slice %arg6[%dma_start3A_179, %dma_start3A_190, %dma_start3A_191] : memref<2x2032x16xf32, #tpu.memory_space<vmem>> -> memref<1x2032x16xf32, #tpu.memory_space<vmem>>
    %dma_start3A_193 = tpu.memref_squeeze %dma_start3A_192 : memref<1x2032x16xf32, #tpu.memory_space<vmem>> -> memref<2032x16xf32, #tpu.memory_space<vmem>>
    tpu.enqueue_dma source(%dma_start3A_193 : memref<2032x16xf32, #tpu.memory_space<vmem>>) target(%dma_start3A_189 : memref<2032x16xf32, #tpu.memory_space<hbm>>) target_semaphore(%arg10 : memref<!tpu.dma_semaphore, #tpu.memory_space<semaphore_mem>>)
    %add3A_194 = arith.constant 4064 : i32
    %add3A_195 = arith.addi %mul3A_36, %add3A_194 : i32
    %dma_wait3A_196 = arith.constant 0 : i32
    %dma_wait3A_197 = arith.constant 0 : i32
    %dma_wait3A_198 = arith.constant 0 : i32
    %dma_wait3A_199 = tpu.memref_slice %arg6[%dma_wait3A_196, %dma_wait3A_197, %dma_wait3A_198] : memref<2x2032x16xf32, #tpu.memory_space<vmem>> -> memref<1x2032x16xf32, #tpu.memory_space<vmem>>
    %dma_wait3A_200 = tpu.memref_squeeze %dma_wait3A_199 : memref<1x2032x16xf32, #tpu.memory_space<vmem>> -> memref<2032x16xf32, #tpu.memory_space<vmem>>
    %dma_wait3A_201 = arith.constant 0 : i32
    %dma_wait3A_202 = tpu.memref_slice %arg4[%select_n3A, %add3A_195, %dma_wait3A_201] : memref<4x130048x16xf32, #tpu.memory_space<hbm>> -> memref<1x2032x16xf32, #tpu.memory_space<hbm>>
    %dma_wait3A_203 = tpu.memref_squeeze %dma_wait3A_202 : memref<1x2032x16xf32, #tpu.memory_space<hbm>> -> memref<2032x16xf32, #tpu.memory_space<hbm>>
    %dma_wait3A_204 = arith.constant 0 : i32
    %dma_wait3A_205 = tpu.memref_slice %arg4[%select_n3A, %add3A_195, %dma_wait3A_204] : memref<4x130048x16xf32, #tpu.memory_space<hbm>> -> memref<1x2032x16xf32, #tpu.memory_space<hbm>>
    %dma_wait3A_206 = tpu.memref_squeeze %dma_wait3A_205 : memref<1x2032x16xf32, #tpu.memory_space<hbm>> -> memref<2032x16xf32, #tpu.memory_space<hbm>>
    %dma_wait3A_207 = arith.constant 0 : i32
    %dma_wait3A_208 = arith.constant 0 : i32
    %dma_wait3A_209 = tpu.memref_slice %arg6[%dma_wait3A_196, %dma_wait3A_207, %dma_wait3A_208] : memref<2x2032x16xf32, #tpu.memory_space<vmem>> -> memref<1x2032x16xf32, #tpu.memory_space<vmem>>
    %dma_wait3A_210 = tpu.memref_squeeze %dma_wait3A_209 : memref<1x2032x16xf32, #tpu.memory_space<vmem>> -> memref<2032x16xf32, #tpu.memory_space<vmem>>
    tpu.wait_dma2 semaphore(%arg9 : memref<!tpu.dma_semaphore, #tpu.memory_space<semaphore_mem>>) src(%dma_wait3A_210 : memref<2032x16xf32, #tpu.memory_space<vmem>>) dst(%dma_wait3A_206 : memref<2032x16xf32, #tpu.memory_space<hbm>>)
    %scan3A_211 = arith.constant 0 : i32
    %scan3A_212 = arith.constant 0 : i32
    %scan3A_213 = arith.constant 2 : i32
    %scan3A_214 = arith.addi %scan3A_212, %scan3A_213 : i32
    %scan3A_215 = arith.constant 1 : i32
    %scan3A_216 = scf.for %scan3A_420 = %scan3A_212 to %scan3A_214 step %scan3A_215 iter_args(%scan3A_421 = %scan3A_211) -> (i32)  : i32 {
      %add3A_422 = arith.constant 8 : i32
      %add3A_423 = arith.addi %add3A_422, %scan3A_420 : i32
      %mul3A_424 = arith.constant 1016 : i32
      %mul3A_425 = arith.muli %add3A_423, %mul3A_424 : i32
      %mul3A_426 = arith.constant 1016 : i32
      %mul3A_427 = arith.muli %scan3A_420, %mul3A_426 : i32
      %dma_start3A_428 = arith.constant 0 : i32
      %dma_start3A_429 = arith.constant 0 : i32
      %dma_start3A_430 = tpu.memref_slice %arg6[%dma_start3A_428, %mul3A_427, %dma_start3A_429] : memref<2x2032x16xf32, #tpu.memory_space<vmem>> -> memref<1x1016x16xf32, #tpu.memory_space<vmem>>
      %dma_start3A_431 = tpu.memref_squeeze %dma_start3A_430 : memref<1x1016x16xf32, #tpu.memory_space<vmem>> -> memref<1016x16xf32, #tpu.memory_space<vmem>>
      %dma_start3A_432 = tpu.memref_slice %arg5[%mul3A_425] : memref<16256xi32, #tpu.memory_space<vmem>> -> memref<1016xi32, #tpu.memory_space<vmem>>
      %dma_start3A_433 = arith.constant 0 : i32
      %dma_start3A_434 = arith.constant 0 : i32
      %dma_start3A_435 = tpu.memref_slice %arg3[%dma_start3A_433, %dma_start3A_434] : memref<1233920x16xf32, #tpu.memory_space<hbm>> -> memref<1233920x16xf32, #tpu.memory_space<hbm>>
      tpu.enqueue_indirect_dma source(%dma_start3A_435 : memref<1233920x16xf32, #tpu.memory_space<hbm>>) target(%dma_start3A_431 : memref<1016x16xf32, #tpu.memory_space<vmem>>) offsets(%dma_start3A_432 : memref<1016xi32, #tpu.memory_space<vmem>>) semaphore(%arg8 : memref<!tpu.dma_semaphore, #tpu.memory_space<semaphore_mem>>)
      %scan3A_436 = arith.constant 0 : i32
      scf.yield %scan3A_436 : i32
    }
    %scan3A_217 = arith.constant 2 : i32
    %scan3A_218 = arith.constant 0 : i32
    %scan3A_219 = arith.constant 0 : i32
    %scan3A_220 = arith.constant 2 : i32
    %scan3A_221 = arith.addi %scan3A_219, %scan3A_220 : i32
    %scan3A_222 = arith.constant 1 : i32
    %scan3A_223 = scf.for %scan3A_420 = %scan3A_219 to %scan3A_221 step %scan3A_222 iter_args(%scan3A_421 = %scan3A_218) -> (i32)  : i32 {
      %add3A_422 = arith.constant 8 : i32
      %add3A_423 = arith.addi %add3A_422, %scan3A_420 : i32
      %mul3A_424 = arith.constant 1016 : i32
      %mul3A_425 = arith.muli %add3A_423, %mul3A_424 : i32
      %mul3A_426 = arith.constant 1016 : i32
      %mul3A_427 = arith.muli %scan3A_420, %mul3A_426 : i32
      %dma_wait3A_428 = arith.constant 0 : i32
      %dma_wait3A_429 = arith.constant 0 : i32
      %dma_wait3A_430 = tpu.memref_slice %arg6[%dma_wait3A_428, %mul3A_427, %dma_wait3A_429] : memref<2x2032x16xf32, #tpu.memory_space<vmem>> -> memref<1x1016x16xf32, #tpu.memory_space<vmem>>
      %dma_wait3A_431 = tpu.memref_squeeze %dma_wait3A_430 : memref<1x1016x16xf32, #tpu.memory_space<vmem>> -> memref<1016x16xf32, #tpu.memory_space<vmem>>
      %dma_wait3A_432 = tpu.memref_slice %arg5[%mul3A_425] : memref<16256xi32, #tpu.memory_space<vmem>> -> memref<1016xi32, #tpu.memory_space<vmem>>
      %dma_wait3A_433 = arith.constant 0 : i32
      %dma_wait3A_434 = arith.constant 0 : i32
      %dma_wait3A_435 = tpu.memref_slice %arg3[%dma_wait3A_433, %dma_wait3A_434] : memref<1233920x16xf32, #tpu.memory_space<hbm>> -> memref<1233920x16xf32, #tpu.memory_space<hbm>>
      tpu.wait_indirect_dma semaphore(%arg8 : memref<!tpu.dma_semaphore, #tpu.memory_space<semaphore_mem>>) src(%dma_wait3A_435 : memref<1233920x16xf32, #tpu.memory_space<hbm>>) dst(%dma_wait3A_431 : memref<1016x16xf32, #tpu.memory_space<vmem>>)
      %scan3A_436 = arith.constant 0 : i32
      scf.yield %scan3A_436 : i32
    }
    %scan3A_224 = arith.constant 2 : i32
    %add3A_225 = arith.constant 8128 : i32
    %add3A_226 = arith.addi %mul3A_36, %add3A_225 : i32
    %dma_start3A_227 = arith.constant 0 : i32
    %dma_start3A_228 = arith.constant 0 : i32
    %dma_start3A_229 = arith.constant 0 : i32
    %dma_start3A_230 = tpu.memref_slice %arg6[%dma_start3A_227, %dma_start3A_228, %dma_start3A_229] : memref<2x2032x16xf32, #tpu.memory_space<vmem>> -> memref<1x2032x16xf32, #tpu.memory_space<vmem>>
    %dma_start3A_231 = tpu.memref_squeeze %dma_start3A_230 : memref<1x2032x16xf32, #tpu.memory_space<vmem>> -> memref<2032x16xf32, #tpu.memory_space<vmem>>
    %dma_start3A_232 = arith.constant 0 : i32
    %dma_start3A_233 = tpu.memref_slice %arg4[%select_n3A, %add3A_226, %dma_start3A_232] : memref<4x130048x16xf32, #tpu.memory_space<hbm>> -> memref<1x2032x16xf32, #tpu.memory_space<hbm>>
    %dma_start3A_234 = tpu.memref_squeeze %dma_start3A_233 : memref<1x2032x16xf32, #tpu.memory_space<hbm>> -> memref<2032x16xf32, #tpu.memory_space<hbm>>
    %dma_start3A_235 = arith.constant 0 : i32
    %dma_start3A_236 = tpu.memref_slice %arg4[%select_n3A, %add3A_226, %dma_start3A_235] : memref<4x130048x16xf32, #tpu.memory_space<hbm>> -> memref<1x2032x16xf32, #tpu.memory_space<hbm>>
    %dma_start3A_237 = tpu.memref_squeeze %dma_start3A_236 : memref<1x2032x16xf32, #tpu.memory_space<hbm>> -> memref<2032x16xf32, #tpu.memory_space<hbm>>
    %dma_start3A_238 = arith.constant 0 : i32
    %dma_start3A_239 = arith.constant 0 : i32
    %dma_start3A_240 = tpu.memref_slice %arg6[%dma_start3A_227, %dma_start3A_238, %dma_start3A_239] : memref<2x2032x16xf32, #tpu.memory_space<vmem>> -> memref<1x2032x16xf32, #tpu.memory_space<vmem>>
    %dma_start3A_241 = tpu.memref_squeeze %dma_start3A_240 : memref<1x2032x16xf32, #tpu.memory_space<vmem>> -> memref<2032x16xf32, #tpu.memory_space<vmem>>
    tpu.enqueue_dma source(%dma_start3A_241 : memref<2032x16xf32, #tpu.memory_space<vmem>>) target(%dma_start3A_237 : memref<2032x16xf32, #tpu.memory_space<hbm>>) target_semaphore(%arg9 : memref<!tpu.dma_semaphore, #tpu.memory_space<semaphore_mem>>)
    %add3A_242 = arith.constant 6096 : i32
    %add3A_243 = arith.addi %mul3A_36, %add3A_242 : i32
    %dma_wait3A_244 = arith.constant 1 : i32
    %dma_wait3A_245 = arith.constant 0 : i32
    %dma_wait3A_246 = arith.constant 0 : i32
    %dma_wait3A_247 = tpu.memref_slice %arg6[%dma_wait3A_244, %dma_wait3A_245, %dma_wait3A_246] : memref<2x2032x16xf32, #tpu.memory_space<vmem>> -> memref<1x2032x16xf32, #tpu.memory_space<vmem>>
    %dma_wait3A_248 = tpu.memref_squeeze %dma_wait3A_247 : memref<1x2032x16xf32, #tpu.memory_space<vmem>> -> memref<2032x16xf32, #tpu.memory_space<vmem>>
    %dma_wait3A_249 = arith.constant 0 : i32
    %dma_wait3A_250 = tpu.memref_slice %arg4[%select_n3A, %add3A_243, %dma_wait3A_249] : memref<4x130048x16xf32, #tpu.memory_space<hbm>> -> memref<1x2032x16xf32, #tpu.memory_space<hbm>>
    %dma_wait3A_251 = tpu.memref_squeeze %dma_wait3A_250 : memref<1x2032x16xf32, #tpu.memory_space<hbm>> -> memref<2032x16xf32, #tpu.memory_space<hbm>>
    %dma_wait3A_252 = arith.constant 0 : i32
    %dma_wait3A_253 = tpu.memref_slice %arg4[%select_n3A, %add3A_243, %dma_wait3A_252] : memref<4x130048x16xf32, #tpu.memory_space<hbm>> -> memref<1x2032x16xf32, #tpu.memory_space<hbm>>
    %dma_wait3A_254 = tpu.memref_squeeze %dma_wait3A_253 : memref<1x2032x16xf32, #tpu.memory_space<hbm>> -> memref<2032x16xf32, #tpu.memory_space<hbm>>
    %dma_wait3A_255 = arith.constant 0 : i32
    %dma_wait3A_256 = arith.constant 0 : i32
    %dma_wait3A_257 = tpu.memref_slice %arg6[%dma_wait3A_244, %dma_wait3A_255, %dma_wait3A_256] : memref<2x2032x16xf32, #tpu.memory_space<vmem>> -> memref<1x2032x16xf32, #tpu.memory_space<vmem>>
    %dma_wait3A_258 = tpu.memref_squeeze %dma_wait3A_257 : memref<1x2032x16xf32, #tpu.memory_space<vmem>> -> memref<2032x16xf32, #tpu.memory_space<vmem>>
    tpu.wait_dma2 semaphore(%arg10 : memref<!tpu.dma_semaphore, #tpu.memory_space<semaphore_mem>>) src(%dma_wait3A_258 : memref<2032x16xf32, #tpu.memory_space<vmem>>) dst(%dma_wait3A_254 : memref<2032x16xf32, #tpu.memory_space<hbm>>)
    %scan3A_259 = arith.constant 0 : i32
    %scan3A_260 = arith.constant 0 : i32
    %scan3A_261 = arith.constant 2 : i32
    %scan3A_262 = arith.addi %scan3A_260, %scan3A_261 : i32
    %scan3A_263 = arith.constant 1 : i32
    %scan3A_264 = scf.for %scan3A_420 = %scan3A_260 to %scan3A_262 step %scan3A_263 iter_args(%scan3A_421 = %scan3A_259) -> (i32)  : i32 {
      %add3A_422 = arith.constant 10 : i32
      %add3A_423 = arith.addi %add3A_422, %scan3A_420 : i32
      %mul3A_424 = arith.constant 1016 : i32
      %mul3A_425 = arith.muli %add3A_423, %mul3A_424 : i32
      %mul3A_426 = arith.constant 1016 : i32
      %mul3A_427 = arith.muli %scan3A_420, %mul3A_426 : i32
      %dma_start3A_428 = arith.constant 1 : i32
      %dma_start3A_429 = arith.constant 0 : i32
      %dma_start3A_430 = tpu.memref_slice %arg6[%dma_start3A_428, %mul3A_427, %dma_start3A_429] : memref<2x2032x16xf32, #tpu.memory_space<vmem>> -> memref<1x1016x16xf32, #tpu.memory_space<vmem>>
      %dma_start3A_431 = tpu.memref_squeeze %dma_start3A_430 : memref<1x1016x16xf32, #tpu.memory_space<vmem>> -> memref<1016x16xf32, #tpu.memory_space<vmem>>
      %dma_start3A_432 = tpu.memref_slice %arg5[%mul3A_425] : memref<16256xi32, #tpu.memory_space<vmem>> -> memref<1016xi32, #tpu.memory_space<vmem>>
      %dma_start3A_433 = arith.constant 0 : i32
      %dma_start3A_434 = arith.constant 0 : i32
      %dma_start3A_435 = tpu.memref_slice %arg3[%dma_start3A_433, %dma_start3A_434] : memref<1233920x16xf32, #tpu.memory_space<hbm>> -> memref<1233920x16xf32, #tpu.memory_space<hbm>>
      tpu.enqueue_indirect_dma source(%dma_start3A_435 : memref<1233920x16xf32, #tpu.memory_space<hbm>>) target(%dma_start3A_431 : memref<1016x16xf32, #tpu.memory_space<vmem>>) offsets(%dma_start3A_432 : memref<1016xi32, #tpu.memory_space<vmem>>) semaphore(%arg8 : memref<!tpu.dma_semaphore, #tpu.memory_space<semaphore_mem>>)
      %scan3A_436 = arith.constant 0 : i32
      scf.yield %scan3A_436 : i32
    }
    %scan3A_265 = arith.constant 2 : i32
    %scan3A_266 = arith.constant 0 : i32
    %scan3A_267 = arith.constant 0 : i32
    %scan3A_268 = arith.constant 2 : i32
    %scan3A_269 = arith.addi %scan3A_267, %scan3A_268 : i32
    %scan3A_270 = arith.constant 1 : i32
    %scan3A_271 = scf.for %scan3A_420 = %scan3A_267 to %scan3A_269 step %scan3A_270 iter_args(%scan3A_421 = %scan3A_266) -> (i32)  : i32 {
      %add3A_422 = arith.constant 10 : i32
      %add3A_423 = arith.addi %add3A_422, %scan3A_420 : i32
      %mul3A_424 = arith.constant 1016 : i32
      %mul3A_425 = arith.muli %add3A_423, %mul3A_424 : i32
      %mul3A_426 = arith.constant 1016 : i32
      %mul3A_427 = arith.muli %scan3A_420, %mul3A_426 : i32
      %dma_wait3A_428 = arith.constant 1 : i32
      %dma_wait3A_429 = arith.constant 0 : i32
      %dma_wait3A_430 = tpu.memref_slice %arg6[%dma_wait3A_428, %mul3A_427, %dma_wait3A_429] : memref<2x2032x16xf32, #tpu.memory_space<vmem>> -> memref<1x1016x16xf32, #tpu.memory_space<vmem>>
      %dma_wait3A_431 = tpu.memref_squeeze %dma_wait3A_430 : memref<1x1016x16xf32, #tpu.memory_space<vmem>> -> memref<1016x16xf32, #tpu.memory_space<vmem>>
      %dma_wait3A_432 = tpu.memref_slice %arg5[%mul3A_425] : memref<16256xi32, #tpu.memory_space<vmem>> -> memref<1016xi32, #tpu.memory_space<vmem>>
      %dma_wait3A_433 = arith.constant 0 : i32
      %dma_wait3A_434 = arith.constant 0 : i32
      %dma_wait3A_435 = tpu.memref_slice %arg3[%dma_wait3A_433, %dma_wait3A_434] : memref<1233920x16xf32, #tpu.memory_space<hbm>> -> memref<1233920x16xf32, #tpu.memory_space<hbm>>
      tpu.wait_indirect_dma semaphore(%arg8 : memref<!tpu.dma_semaphore, #tpu.memory_space<semaphore_mem>>) src(%dma_wait3A_435 : memref<1233920x16xf32, #tpu.memory_space<hbm>>) dst(%dma_wait3A_431 : memref<1016x16xf32, #tpu.memory_space<vmem>>)
      %scan3A_436 = arith.constant 0 : i32
      scf.yield %scan3A_436 : i32
    }
    %scan3A_272 = arith.constant 2 : i32
    %add3A_273 = arith.constant 10160 : i32
    %add3A_274 = arith.addi %mul3A_36, %add3A_273 : i32
    %dma_start3A_275 = arith.constant 1 : i32
    %dma_start3A_276 = arith.constant 0 : i32
    %dma_start3A_277 = arith.constant 0 : i32
    %dma_start3A_278 = tpu.memref_slice %arg6[%dma_start3A_275, %dma_start3A_276, %dma_start3A_277] : memref<2x2032x16xf32, #tpu.memory_space<vmem>> -> memref<1x2032x16xf32, #tpu.memory_space<vmem>>
    %dma_start3A_279 = tpu.memref_squeeze %dma_start3A_278 : memref<1x2032x16xf32, #tpu.memory_space<vmem>> -> memref<2032x16xf32, #tpu.memory_space<vmem>>
    %dma_start3A_280 = arith.constant 0 : i32
    %dma_start3A_281 = tpu.memref_slice %arg4[%select_n3A, %add3A_274, %dma_start3A_280] : memref<4x130048x16xf32, #tpu.memory_space<hbm>> -> memref<1x2032x16xf32, #tpu.memory_space<hbm>>
    %dma_start3A_282 = tpu.memref_squeeze %dma_start3A_281 : memref<1x2032x16xf32, #tpu.memory_space<hbm>> -> memref<2032x16xf32, #tpu.memory_space<hbm>>
    %dma_start3A_283 = arith.constant 0 : i32
    %dma_start3A_284 = tpu.memref_slice %arg4[%select_n3A, %add3A_274, %dma_start3A_283] : memref<4x130048x16xf32, #tpu.memory_space<hbm>> -> memref<1x2032x16xf32, #tpu.memory_space<hbm>>
    %dma_start3A_285 = tpu.memref_squeeze %dma_start3A_284 : memref<1x2032x16xf32, #tpu.memory_space<hbm>> -> memref<2032x16xf32, #tpu.memory_space<hbm>>
    %dma_start3A_286 = arith.constant 0 : i32
    %dma_start3A_287 = arith.constant 0 : i32
    %dma_start3A_288 = tpu.memref_slice %arg6[%dma_start3A_275, %dma_start3A_286, %dma_start3A_287] : memref<2x2032x16xf32, #tpu.memory_space<vmem>> -> memref<1x2032x16xf32, #tpu.memory_space<vmem>>
    %dma_start3A_289 = tpu.memref_squeeze %dma_start3A_288 : memref<1x2032x16xf32, #tpu.memory_space<vmem>> -> memref<2032x16xf32, #tpu.memory_space<vmem>>
    tpu.enqueue_dma source(%dma_start3A_289 : memref<2032x16xf32, #tpu.memory_space<vmem>>) target(%dma_start3A_285 : memref<2032x16xf32, #tpu.memory_space<hbm>>) target_semaphore(%arg10 : memref<!tpu.dma_semaphore, #tpu.memory_space<semaphore_mem>>)
    %add3A_290 = arith.constant 8128 : i32
    %add3A_291 = arith.addi %mul3A_36, %add3A_290 : i32
    %dma_wait3A_292 = arith.constant 0 : i32
    %dma_wait3A_293 = arith.constant 0 : i32
    %dma_wait3A_294 = arith.constant 0 : i32
    %dma_wait3A_295 = tpu.memref_slice %arg6[%dma_wait3A_292, %dma_wait3A_293, %dma_wait3A_294] : memref<2x2032x16xf32, #tpu.memory_space<vmem>> -> memref<1x2032x16xf32, #tpu.memory_space<vmem>>
    %dma_wait3A_296 = tpu.memref_squeeze %dma_wait3A_295 : memref<1x2032x16xf32, #tpu.memory_space<vmem>> -> memref<2032x16xf32, #tpu.memory_space<vmem>>
    %dma_wait3A_297 = arith.constant 0 : i32
    %dma_wait3A_298 = tpu.memref_slice %arg4[%select_n3A, %add3A_291, %dma_wait3A_297] : memref<4x130048x16xf32, #tpu.memory_space<hbm>> -> memref<1x2032x16xf32, #tpu.memory_space<hbm>>
    %dma_wait3A_299 = tpu.memref_squeeze %dma_wait3A_298 : memref<1x2032x16xf32, #tpu.memory_space<hbm>> -> memref<2032x16xf32, #tpu.memory_space<hbm>>
    %dma_wait3A_300 = arith.constant 0 : i32
    %dma_wait3A_301 = tpu.memref_slice %arg4[%select_n3A, %add3A_291, %dma_wait3A_300] : memref<4x130048x16xf32, #tpu.memory_space<hbm>> -> memref<1x2032x16xf32, #tpu.memory_space<hbm>>
    %dma_wait3A_302 = tpu.memref_squeeze %dma_wait3A_301 : memref<1x2032x16xf32, #tpu.memory_space<hbm>> -> memref<2032x16xf32, #tpu.memory_space<hbm>>
    %dma_wait3A_303 = arith.constant 0 : i32
    %dma_wait3A_304 = arith.constant 0 : i32
    %dma_wait3A_305 = tpu.memref_slice %arg6[%dma_wait3A_292, %dma_wait3A_303, %dma_wait3A_304] : memref<2x2032x16xf32, #tpu.memory_space<vmem>> -> memref<1x2032x16xf32, #tpu.memory_space<vmem>>
    %dma_wait3A_306 = tpu.memref_squeeze %dma_wait3A_305 : memref<1x2032x16xf32, #tpu.memory_space<vmem>> -> memref<2032x16xf32, #tpu.memory_space<vmem>>
    tpu.wait_dma2 semaphore(%arg9 : memref<!tpu.dma_semaphore, #tpu.memory_space<semaphore_mem>>) src(%dma_wait3A_306 : memref<2032x16xf32, #tpu.memory_space<vmem>>) dst(%dma_wait3A_302 : memref<2032x16xf32, #tpu.memory_space<hbm>>)
    %scan3A_307 = arith.constant 0 : i32
    %scan3A_308 = arith.constant 0 : i32
    %scan3A_309 = arith.constant 2 : i32
    %scan3A_310 = arith.addi %scan3A_308, %scan3A_309 : i32
    %scan3A_311 = arith.constant 1 : i32
    %scan3A_312 = scf.for %scan3A_420 = %scan3A_308 to %scan3A_310 step %scan3A_311 iter_args(%scan3A_421 = %scan3A_307) -> (i32)  : i32 {
      %add3A_422 = arith.constant 12 : i32
      %add3A_423 = arith.addi %add3A_422, %scan3A_420 : i32
      %mul3A_424 = arith.constant 1016 : i32
      %mul3A_425 = arith.muli %add3A_423, %mul3A_424 : i32
      %mul3A_426 = arith.constant 1016 : i32
      %mul3A_427 = arith.muli %scan3A_420, %mul3A_426 : i32
      %dma_start3A_428 = arith.constant 0 : i32
      %dma_start3A_429 = arith.constant 0 : i32
      %dma_start3A_430 = tpu.memref_slice %arg6[%dma_start3A_428, %mul3A_427, %dma_start3A_429] : memref<2x2032x16xf32, #tpu.memory_space<vmem>> -> memref<1x1016x16xf32, #tpu.memory_space<vmem>>
      %dma_start3A_431 = tpu.memref_squeeze %dma_start3A_430 : memref<1x1016x16xf32, #tpu.memory_space<vmem>> -> memref<1016x16xf32, #tpu.memory_space<vmem>>
      %dma_start3A_432 = tpu.memref_slice %arg5[%mul3A_425] : memref<16256xi32, #tpu.memory_space<vmem>> -> memref<1016xi32, #tpu.memory_space<vmem>>
      %dma_start3A_433 = arith.constant 0 : i32
      %dma_start3A_434 = arith.constant 0 : i32
      %dma_start3A_435 = tpu.memref_slice %arg3[%dma_start3A_433, %dma_start3A_434] : memref<1233920x16xf32, #tpu.memory_space<hbm>> -> memref<1233920x16xf32, #tpu.memory_space<hbm>>
      tpu.enqueue_indirect_dma source(%dma_start3A_435 : memref<1233920x16xf32, #tpu.memory_space<hbm>>) target(%dma_start3A_431 : memref<1016x16xf32, #tpu.memory_space<vmem>>) offsets(%dma_start3A_432 : memref<1016xi32, #tpu.memory_space<vmem>>) semaphore(%arg8 : memref<!tpu.dma_semaphore, #tpu.memory_space<semaphore_mem>>)
      %scan3A_436 = arith.constant 0 : i32
      scf.yield %scan3A_436 : i32
    }
    %scan3A_313 = arith.constant 2 : i32
    %scan3A_314 = arith.constant 0 : i32
    %scan3A_315 = arith.constant 0 : i32
    %scan3A_316 = arith.constant 2 : i32
    %scan3A_317 = arith.addi %scan3A_315, %scan3A_316 : i32
    %scan3A_318 = arith.constant 1 : i32
    %scan3A_319 = scf.for %scan3A_420 = %scan3A_315 to %scan3A_317 step %scan3A_318 iter_args(%scan3A_421 = %scan3A_314) -> (i32)  : i32 {
      %add3A_422 = arith.constant 12 : i32
      %add3A_423 = arith.addi %add3A_422, %scan3A_420 : i32
      %mul3A_424 = arith.constant 1016 : i32
      %mul3A_425 = arith.muli %add3A_423, %mul3A_424 : i32
      %mul3A_426 = arith.constant 1016 : i32
      %mul3A_427 = arith.muli %scan3A_420, %mul3A_426 : i32
      %dma_wait3A_428 = arith.constant 0 : i32
      %dma_wait3A_429 = arith.constant 0 : i32
      %dma_wait3A_430 = tpu.memref_slice %arg6[%dma_wait3A_428, %mul3A_427, %dma_wait3A_429] : memref<2x2032x16xf32, #tpu.memory_space<vmem>> -> memref<1x1016x16xf32, #tpu.memory_space<vmem>>
      %dma_wait3A_431 = tpu.memref_squeeze %dma_wait3A_430 : memref<1x1016x16xf32, #tpu.memory_space<vmem>> -> memref<1016x16xf32, #tpu.memory_space<vmem>>
      %dma_wait3A_432 = tpu.memref_slice %arg5[%mul3A_425] : memref<16256xi32, #tpu.memory_space<vmem>> -> memref<1016xi32, #tpu.memory_space<vmem>>
      %dma_wait3A_433 = arith.constant 0 : i32
      %dma_wait3A_434 = arith.constant 0 : i32
      %dma_wait3A_435 = tpu.memref_slice %arg3[%dma_wait3A_433, %dma_wait3A_434] : memref<1233920x16xf32, #tpu.memory_space<hbm>> -> memref<1233920x16xf32, #tpu.memory_space<hbm>>
      tpu.wait_indirect_dma semaphore(%arg8 : memref<!tpu.dma_semaphore, #tpu.memory_space<semaphore_mem>>) src(%dma_wait3A_435 : memref<1233920x16xf32, #tpu.memory_space<hbm>>) dst(%dma_wait3A_431 : memref<1016x16xf32, #tpu.memory_space<vmem>>)
      %scan3A_436 = arith.constant 0 : i32
      scf.yield %scan3A_436 : i32
    }
    %scan3A_320 = arith.constant 2 : i32
    %add3A_321 = arith.constant 12192 : i32
    %add3A_322 = arith.addi %mul3A_36, %add3A_321 : i32
    %dma_start3A_323 = arith.constant 0 : i32
    %dma_start3A_324 = arith.constant 0 : i32
    %dma_start3A_325 = arith.constant 0 : i32
    %dma_start3A_326 = tpu.memref_slice %arg6[%dma_start3A_323, %dma_start3A_324, %dma_start3A_325] : memref<2x2032x16xf32, #tpu.memory_space<vmem>> -> memref<1x2032x16xf32, #tpu.memory_space<vmem>>
    %dma_start3A_327 = tpu.memref_squeeze %dma_start3A_326 : memref<1x2032x16xf32, #tpu.memory_space<vmem>> -> memref<2032x16xf32, #tpu.memory_space<vmem>>
    %dma_start3A_328 = arith.constant 0 : i32
    %dma_start3A_329 = tpu.memref_slice %arg4[%select_n3A, %add3A_322, %dma_start3A_328] : memref<4x130048x16xf32, #tpu.memory_space<hbm>> -> memref<1x2032x16xf32, #tpu.memory_space<hbm>>
    %dma_start3A_330 = tpu.memref_squeeze %dma_start3A_329 : memref<1x2032x16xf32, #tpu.memory_space<hbm>> -> memref<2032x16xf32, #tpu.memory_space<hbm>>
    %dma_start3A_331 = arith.constant 0 : i32
    %dma_start3A_332 = tpu.memref_slice %arg4[%select_n3A, %add3A_322, %dma_start3A_331] : memref<4x130048x16xf32, #tpu.memory_space<hbm>> -> memref<1x2032x16xf32, #tpu.memory_space<hbm>>
    %dma_start3A_333 = tpu.memref_squeeze %dma_start3A_332 : memref<1x2032x16xf32, #tpu.memory_space<hbm>> -> memref<2032x16xf32, #tpu.memory_space<hbm>>
    %dma_start3A_334 = arith.constant 0 : i32
    %dma_start3A_335 = arith.constant 0 : i32
    %dma_start3A_336 = tpu.memref_slice %arg6[%dma_start3A_323, %dma_start3A_334, %dma_start3A_335] : memref<2x2032x16xf32, #tpu.memory_space<vmem>> -> memref<1x2032x16xf32, #tpu.memory_space<vmem>>
    %dma_start3A_337 = tpu.memref_squeeze %dma_start3A_336 : memref<1x2032x16xf32, #tpu.memory_space<vmem>> -> memref<2032x16xf32, #tpu.memory_space<vmem>>
    tpu.enqueue_dma source(%dma_start3A_337 : memref<2032x16xf32, #tpu.memory_space<vmem>>) target(%dma_start3A_333 : memref<2032x16xf32, #tpu.memory_space<hbm>>) target_semaphore(%arg9 : memref<!tpu.dma_semaphore, #tpu.memory_space<semaphore_mem>>)
    %add3A_338 = arith.constant 10160 : i32
    %add3A_339 = arith.addi %mul3A_36, %add3A_338 : i32
    %dma_wait3A_340 = arith.constant 1 : i32
    %dma_wait3A_341 = arith.constant 0 : i32
    %dma_wait3A_342 = arith.constant 0 : i32
    %dma_wait3A_343 = tpu.memref_slice %arg6[%dma_wait3A_340, %dma_wait3A_341, %dma_wait3A_342] : memref<2x2032x16xf32, #tpu.memory_space<vmem>> -> memref<1x2032x16xf32, #tpu.memory_space<vmem>>
    %dma_wait3A_344 = tpu.memref_squeeze %dma_wait3A_343 : memref<1x2032x16xf32, #tpu.memory_space<vmem>> -> memref<2032x16xf32, #tpu.memory_space<vmem>>
    %dma_wait3A_345 = arith.constant 0 : i32
    %dma_wait3A_346 = tpu.memref_slice %arg4[%select_n3A, %add3A_339, %dma_wait3A_345] : memref<4x130048x16xf32, #tpu.memory_space<hbm>> -> memref<1x2032x16xf32, #tpu.memory_space<hbm>>
    %dma_wait3A_347 = tpu.memref_squeeze %dma_wait3A_346 : memref<1x2032x16xf32, #tpu.memory_space<hbm>> -> memref<2032x16xf32, #tpu.memory_space<hbm>>
    %dma_wait3A_348 = arith.constant 0 : i32
    %dma_wait3A_349 = tpu.memref_slice %arg4[%select_n3A, %add3A_339, %dma_wait3A_348] : memref<4x130048x16xf32, #tpu.memory_space<hbm>> -> memref<1x2032x16xf32, #tpu.memory_space<hbm>>
    %dma_wait3A_350 = tpu.memref_squeeze %dma_wait3A_349 : memref<1x2032x16xf32, #tpu.memory_space<hbm>> -> memref<2032x16xf32, #tpu.memory_space<hbm>>
    %dma_wait3A_351 = arith.constant 0 : i32
    %dma_wait3A_352 = arith.constant 0 : i32
    %dma_wait3A_353 = tpu.memref_slice %arg6[%dma_wait3A_340, %dma_wait3A_351, %dma_wait3A_352] : memref<2x2032x16xf32, #tpu.memory_space<vmem>> -> memref<1x2032x16xf32, #tpu.memory_space<vmem>>
    %dma_wait3A_354 = tpu.memref_squeeze %dma_wait3A_353 : memref<1x2032x16xf32, #tpu.memory_space<vmem>> -> memref<2032x16xf32, #tpu.memory_space<vmem>>
    tpu.wait_dma2 semaphore(%arg10 : memref<!tpu.dma_semaphore, #tpu.memory_space<semaphore_mem>>) src(%dma_wait3A_354 : memref<2032x16xf32, #tpu.memory_space<vmem>>) dst(%dma_wait3A_350 : memref<2032x16xf32, #tpu.memory_space<hbm>>)
    %scan3A_355 = arith.constant 0 : i32
    %scan3A_356 = arith.constant 0 : i32
    %scan3A_357 = arith.constant 2 : i32
    %scan3A_358 = arith.addi %scan3A_356, %scan3A_357 : i32
    %scan3A_359 = arith.constant 1 : i32
    %scan3A_360 = scf.for %scan3A_420 = %scan3A_356 to %scan3A_358 step %scan3A_359 iter_args(%scan3A_421 = %scan3A_355) -> (i32)  : i32 {
      %add3A_422 = arith.constant 14 : i32
      %add3A_423 = arith.addi %add3A_422, %scan3A_420 : i32
      %mul3A_424 = arith.constant 1016 : i32
      %mul3A_425 = arith.muli %add3A_423, %mul3A_424 : i32
      %mul3A_426 = arith.constant 1016 : i32
      %mul3A_427 = arith.muli %scan3A_420, %mul3A_426 : i32
      %dma_start3A_428 = arith.constant 1 : i32
      %dma_start3A_429 = arith.constant 0 : i32
      %dma_start3A_430 = tpu.memref_slice %arg6[%dma_start3A_428, %mul3A_427, %dma_start3A_429] : memref<2x2032x16xf32, #tpu.memory_space<vmem>> -> memref<1x1016x16xf32, #tpu.memory_space<vmem>>
      %dma_start3A_431 = tpu.memref_squeeze %dma_start3A_430 : memref<1x1016x16xf32, #tpu.memory_space<vmem>> -> memref<1016x16xf32, #tpu.memory_space<vmem>>
      %dma_start3A_432 = tpu.memref_slice %arg5[%mul3A_425] : memref<16256xi32, #tpu.memory_space<vmem>> -> memref<1016xi32, #tpu.memory_space<vmem>>
      %dma_start3A_433 = arith.constant 0 : i32
      %dma_start3A_434 = arith.constant 0 : i32
      %dma_start3A_435 = tpu.memref_slice %arg3[%dma_start3A_433, %dma_start3A_434] : memref<1233920x16xf32, #tpu.memory_space<hbm>> -> memref<1233920x16xf32, #tpu.memory_space<hbm>>
      tpu.enqueue_indirect_dma source(%dma_start3A_435 : memref<1233920x16xf32, #tpu.memory_space<hbm>>) target(%dma_start3A_431 : memref<1016x16xf32, #tpu.memory_space<vmem>>) offsets(%dma_start3A_432 : memref<1016xi32, #tpu.memory_space<vmem>>) semaphore(%arg8 : memref<!tpu.dma_semaphore, #tpu.memory_space<semaphore_mem>>)
      %scan3A_436 = arith.constant 0 : i32
      scf.yield %scan3A_436 : i32
    }
    %scan3A_361 = arith.constant 2 : i32
    %scan3A_362 = arith.constant 0 : i32
    %scan3A_363 = arith.constant 0 : i32
    %scan3A_364 = arith.constant 2 : i32
    %scan3A_365 = arith.addi %scan3A_363, %scan3A_364 : i32
    %scan3A_366 = arith.constant 1 : i32
    %scan3A_367 = scf.for %scan3A_420 = %scan3A_363 to %scan3A_365 step %scan3A_366 iter_args(%scan3A_421 = %scan3A_362) -> (i32)  : i32 {
      %add3A_422 = arith.constant 14 : i32
      %add3A_423 = arith.addi %add3A_422, %scan3A_420 : i32
      %mul3A_424 = arith.constant 1016 : i32
      %mul3A_425 = arith.muli %add3A_423, %mul3A_424 : i32
      %mul3A_426 = arith.constant 1016 : i32
      %mul3A_427 = arith.muli %scan3A_420, %mul3A_426 : i32
      %dma_wait3A_428 = arith.constant 1 : i32
      %dma_wait3A_429 = arith.constant 0 : i32
      %dma_wait3A_430 = tpu.memref_slice %arg6[%dma_wait3A_428, %mul3A_427, %dma_wait3A_429] : memref<2x2032x16xf32, #tpu.memory_space<vmem>> -> memref<1x1016x16xf32, #tpu.memory_space<vmem>>
      %dma_wait3A_431 = tpu.memref_squeeze %dma_wait3A_430 : memref<1x1016x16xf32, #tpu.memory_space<vmem>> -> memref<1016x16xf32, #tpu.memory_space<vmem>>
      %dma_wait3A_432 = tpu.memref_slice %arg5[%mul3A_425] : memref<16256xi32, #tpu.memory_space<vmem>> -> memref<1016xi32, #tpu.memory_space<vmem>>
      %dma_wait3A_433 = arith.constant 0 : i32
      %dma_wait3A_434 = arith.constant 0 : i32
      %dma_wait3A_435 = tpu.memref_slice %arg3[%dma_wait3A_433, %dma_wait3A_434] : memref<1233920x16xf32, #tpu.memory_space<hbm>> -> memref<1233920x16xf32, #tpu.memory_space<hbm>>
      tpu.wait_indirect_dma semaphore(%arg8 : memref<!tpu.dma_semaphore, #tpu.memory_space<semaphore_mem>>) src(%dma_wait3A_435 : memref<1233920x16xf32, #tpu.memory_space<hbm>>) dst(%dma_wait3A_431 : memref<1016x16xf32, #tpu.memory_space<vmem>>)
      %scan3A_436 = arith.constant 0 : i32
      scf.yield %scan3A_436 : i32
    }
    %scan3A_368 = arith.constant 2 : i32
    %add3A_369 = arith.constant 14224 : i32
    %add3A_370 = arith.addi %mul3A_36, %add3A_369 : i32
    %dma_start3A_371 = arith.constant 1 : i32
    %dma_start3A_372 = arith.constant 0 : i32
    %dma_start3A_373 = arith.constant 0 : i32
    %dma_start3A_374 = tpu.memref_slice %arg6[%dma_start3A_371, %dma_start3A_372, %dma_start3A_373] : memref<2x2032x16xf32, #tpu.memory_space<vmem>> -> memref<1x2032x16xf32, #tpu.memory_space<vmem>>
    %dma_start3A_375 = tpu.memref_squeeze %dma_start3A_374 : memref<1x2032x16xf32, #tpu.memory_space<vmem>> -> memref<2032x16xf32, #tpu.memory_space<vmem>>
    %dma_start3A_376 = arith.constant 0 : i32
    %dma_start3A_377 = tpu.memref_slice %arg4[%select_n3A, %add3A_370, %dma_start3A_376] : memref<4x130048x16xf32, #tpu.memory_space<hbm>> -> memref<1x2032x16xf32, #tpu.memory_space<hbm>>
    %dma_start3A_378 = tpu.memref_squeeze %dma_start3A_377 : memref<1x2032x16xf32, #tpu.memory_space<hbm>> -> memref<2032x16xf32, #tpu.memory_space<hbm>>
    %dma_start3A_379 = arith.constant 0 : i32
    %dma_start3A_380 = tpu.memref_slice %arg4[%select_n3A, %add3A_370, %dma_start3A_379] : memref<4x130048x16xf32, #tpu.memory_space<hbm>> -> memref<1x2032x16xf32, #tpu.memory_space<hbm>>
    %dma_start3A_381 = tpu.memref_squeeze %dma_start3A_380 : memref<1x2032x16xf32, #tpu.memory_space<hbm>> -> memref<2032x16xf32, #tpu.memory_space<hbm>>
    %dma_start3A_382 = arith.constant 0 : i32
    %dma_start3A_383 = arith.constant 0 : i32
    %dma_start3A_384 = tpu.memref_slice %arg6[%dma_start3A_371, %dma_start3A_382, %dma_start3A_383] : memref<2x2032x16xf32, #tpu.memory_space<vmem>> -> memref<1x2032x16xf32, #tpu.memory_space<vmem>>
    %dma_start3A_385 = tpu.memref_squeeze %dma_start3A_384 : memref<1x2032x16xf32, #tpu.memory_space<vmem>> -> memref<2032x16xf32, #tpu.memory_space<vmem>>
    tpu.enqueue_dma source(%dma_start3A_385 : memref<2032x16xf32, #tpu.memory_space<vmem>>) target(%dma_start3A_381 : memref<2032x16xf32, #tpu.memory_space<hbm>>) target_semaphore(%arg10 : memref<!tpu.dma_semaphore, #tpu.memory_space<semaphore_mem>>)
    %add3A_386 = arith.constant 12192 : i32
    %add3A_387 = arith.addi %mul3A_36, %add3A_386 : i32
    %dma_wait3A_388 = arith.constant 0 : i32
    %dma_wait3A_389 = arith.constant 0 : i32
    %dma_wait3A_390 = arith.constant 0 : i32
    %dma_wait3A_391 = tpu.memref_slice %arg6[%dma_wait3A_388, %dma_wait3A_389, %dma_wait3A_390] : memref<2x2032x16xf32, #tpu.memory_space<vmem>> -> memref<1x2032x16xf32, #tpu.memory_space<vmem>>
    %dma_wait3A_392 = tpu.memref_squeeze %dma_wait3A_391 : memref<1x2032x16xf32, #tpu.memory_space<vmem>> -> memref<2032x16xf32, #tpu.memory_space<vmem>>
    %dma_wait3A_393 = arith.constant 0 : i32
    %dma_wait3A_394 = tpu.memref_slice %arg4[%select_n3A, %add3A_387, %dma_wait3A_393] : memref<4x130048x16xf32, #tpu.memory_space<hbm>> -> memref<1x2032x16xf32, #tpu.memory_space<hbm>>
    %dma_wait3A_395 = tpu.memref_squeeze %dma_wait3A_394 : memref<1x2032x16xf32, #tpu.memory_space<hbm>> -> memref<2032x16xf32, #tpu.memory_space<hbm>>
    %dma_wait3A_396 = arith.constant 0 : i32
    %dma_wait3A_397 = tpu.memref_slice %arg4[%select_n3A, %add3A_387, %dma_wait3A_396] : memref<4x130048x16xf32, #tpu.memory_space<hbm>> -> memref<1x2032x16xf32, #tpu.memory_space<hbm>>
    %dma_wait3A_398 = tpu.memref_squeeze %dma_wait3A_397 : memref<1x2032x16xf32, #tpu.memory_space<hbm>> -> memref<2032x16xf32, #tpu.memory_space<hbm>>
    %dma_wait3A_399 = arith.constant 0 : i32
    %dma_wait3A_400 = arith.constant 0 : i32
    %dma_wait3A_401 = tpu.memref_slice %arg6[%dma_wait3A_388, %dma_wait3A_399, %dma_wait3A_400] : memref<2x2032x16xf32, #tpu.memory_space<vmem>> -> memref<1x2032x16xf32, #tpu.memory_space<vmem>>
    %dma_wait3A_402 = tpu.memref_squeeze %dma_wait3A_401 : memref<1x2032x16xf32, #tpu.memory_space<vmem>> -> memref<2032x16xf32, #tpu.memory_space<vmem>>
    tpu.wait_dma2 semaphore(%arg9 : memref<!tpu.dma_semaphore, #tpu.memory_space<semaphore_mem>>) src(%dma_wait3A_402 : memref<2032x16xf32, #tpu.memory_space<vmem>>) dst(%dma_wait3A_398 : memref<2032x16xf32, #tpu.memory_space<hbm>>)
    %add3A_403 = arith.constant 14224 : i32
    %add3A_404 = arith.addi %mul3A_36, %add3A_403 : i32
    %dma_wait3A_405 = arith.constant 1 : i32
    %dma_wait3A_406 = arith.constant 0 : i32
    %dma_wait3A_407 = arith.constant 0 : i32
    %dma_wait3A_408 = tpu.memref_slice %arg6[%dma_wait3A_405, %dma_wait3A_406, %dma_wait3A_407] : memref<2x2032x16xf32, #tpu.memory_space<vmem>> -> memref<1x2032x16xf32, #tpu.memory_space<vmem>>
    %dma_wait3A_409 = tpu.memref_squeeze %dma_wait3A_408 : memref<1x2032x16xf32, #tpu.memory_space<vmem>> -> memref<2032x16xf32, #tpu.memory_space<vmem>>
    %dma_wait3A_410 = arith.constant 0 : i32
    %dma_wait3A_411 = tpu.memref_slice %arg4[%select_n3A, %add3A_404, %dma_wait3A_410] : memref<4x130048x16xf32, #tpu.memory_space<hbm>> -> memref<1x2032x16xf32, #tpu.memory_space<hbm>>
    %dma_wait3A_412 = tpu.memref_squeeze %dma_wait3A_411 : memref<1x2032x16xf32, #tpu.memory_space<hbm>> -> memref<2032x16xf32, #tpu.memory_space<hbm>>
    %dma_wait3A_413 = arith.constant 0 : i32
    %dma_wait3A_414 = tpu.memref_slice %arg4[%select_n3A, %add3A_404, %dma_wait3A_413] : memref<4x130048x16xf32, #tpu.memory_space<hbm>> -> memref<1x2032x16xf32, #tpu.memory_space<hbm>>
    %dma_wait3A_415 = tpu.memref_squeeze %dma_wait3A_414 : memref<1x2032x16xf32, #tpu.memory_space<hbm>> -> memref<2032x16xf32, #tpu.memory_space<hbm>>
    %dma_wait3A_416 = arith.constant 0 : i32
    %dma_wait3A_417 = arith.constant 0 : i32
    %dma_wait3A_418 = tpu.memref_slice %arg6[%dma_wait3A_405, %dma_wait3A_416, %dma_wait3A_417] : memref<2x2032x16xf32, #tpu.memory_space<vmem>> -> memref<1x2032x16xf32, #tpu.memory_space<vmem>>
    %dma_wait3A_419 = tpu.memref_squeeze %dma_wait3A_418 : memref<1x2032x16xf32, #tpu.memory_space<vmem>> -> memref<2032x16xf32, #tpu.memory_space<vmem>>
    tpu.wait_dma2 semaphore(%arg10 : memref<!tpu.dma_semaphore, #tpu.memory_space<semaphore_mem>>) src(%dma_wait3A_419 : memref<2032x16xf32, #tpu.memory_space<vmem>>) dst(%dma_wait3A_415 : memref<2032x16xf32, #tpu.memory_space<hbm>>)
    return
  }
}

#map = affine_map<(d0, d1) -> (0, 0)>
#map1 = affine_map<(d0, d1) -> (0)>
module attributes {stable_mosaic.version = 14 : i64} {
  func.func @_sc_p1_body(%arg0: i32, %arg1: i32, %arg2: memref<4x307200xi32, #tpu.memory_space<hbm>>, %arg3: memref<520192xi32, #tpu.memory_space<hbm>>, %arg4: memref<16256xi32, #tpu.memory_space<vmem>>, %arg5: memref<2x7680xi32, #tpu.memory_space<vmem>>, %arg6: memref<!tpu.dma_semaphore, #tpu.memory_space<semaphore_mem>>, %arg7: memref<!tpu.dma_semaphore, #tpu.memory_space<semaphore_mem>>) attributes {dimension_semantics = [#tpu.dimension_semantics<core_parallel>, #tpu.dimension_semantics<subcore_parallel>], iteration_bounds = array<i64: 2, 16>, scalar_prefetch = 0 : i64, scratch_operands = 4 : i64, tpu.core_type = #tpu.core_type<sc_vector_subcore>, window_params = [{transform_indices = #map}, {transform_indices = #map1}]} {
    %mul3A = arith.constant 2 : i32
    %mul3A_0 = arith.muli %arg1, %mul3A : i32
    %add3A = arith.addi %mul3A_0, %arg0 : i32
    %jit3A = arith.constant 8 : i32
    %div3A = arith.divsi %add3A, %jit3A : i32
    %sign3A = arith.constant 0 : i32
    %sign3A_1 = arith.cmpi sgt, %add3A, %sign3A : i32
    %sign3A_2 = arith.extui %sign3A_1 : i1 to i32
    %sign3A_3 = arith.constant 0 : i32
    %sign3A_4 = arith.cmpi slt, %add3A, %sign3A_3 : i32
    %sign3A_5 = arith.extui %sign3A_4 : i1 to i32
    %sign3A_6 = arith.subi %sign3A_2, %sign3A_5 : i32
    %sign3A_7 = arith.constant 0 : i32
    %sign3A_8 = arith.cmpi sgt, %jit3A, %sign3A_7 : i32
    %sign3A_9 = arith.extui %sign3A_8 : i1 to i32
    %sign3A_10 = arith.constant 0 : i32
    %sign3A_11 = arith.cmpi slt, %jit3A, %sign3A_10 : i32
    %sign3A_12 = arith.extui %sign3A_11 : i1 to i32
    %sign3A_13 = arith.subi %sign3A_9, %sign3A_12 : i32
    %ne3A = arith.cmpi ne, %sign3A_6, %sign3A_13 : i32
    %rem3A = arith.remsi %add3A, %jit3A : i32
    %ne3A_14 = arith.constant 0 : i32
    %ne3A_15 = arith.cmpi ne, %rem3A, %ne3A_14 : i32
    %and3A = arith.andi %ne3A, %ne3A_15 : i1
    %sub3A = arith.constant 1 : i32
    %sub3A_16 = arith.subi %div3A, %sub3A : i32
    %select_n3A = arith.select %and3A, %sub3A_16, %div3A : i32
    %jit3A_17 = arith.constant 8 : i32
    %eq3A = arith.constant 0 : i32
    %eq3A_18 = arith.cmpi eq, %jit3A_17, %eq3A : i32
    %jit3A_19 = arith.constant 1 : i32
    %select_n3A_20 = arith.select %eq3A_18, %jit3A_19, %jit3A_17 : i32
    %rem3A_21 = arith.remsi %add3A, %select_n3A_20 : i32
    %ne3A_22 = arith.constant 0 : i32
    %ne3A_23 = arith.cmpi ne, %rem3A_21, %ne3A_22 : i32
    %lt3A = arith.constant 0 : i32
    %lt3A_24 = arith.cmpi slt, %rem3A_21, %lt3A : i32
    %lt3A_25 = arith.constant 0 : i32
    %lt3A_26 = arith.cmpi slt, %select_n3A_20, %lt3A_25 : i32
    %ne3A_27 = arith.xori %lt3A_24, %lt3A_26 : i1
    %and3A_28 = arith.andi %ne3A_27, %ne3A_23 : i1
    %add3A_29 = arith.addi %rem3A_21, %select_n3A_20 : i32
    %select_n3A_30 = arith.select %and3A_28, %add3A_29, %rem3A_21 : i32
    %mul3A_31 = arith.constant 16200 : i32
    %mul3A_32 = arith.muli %select_n3A_30, %mul3A_31 : i32
    %max3A = arith.constant 1 : i32
    %max3A_33 = arith.maxsi %mul3A_32, %max3A : i32
    %add3A_34 = arith.constant 16200 : i32
    %add3A_35 = arith.addi %mul3A_32, %add3A_34 : i32
    %iota3A = tpu.iota {dimensions = array<i32: 0>} : vector<16xi32>
    %scan3A = arith.constant 0 : i32
    %scan3A_36 = arith.constant 0 : i32
    %scan3A_37 = arith.constant 127 : i32
    %scan3A_38 = arith.addi %scan3A_36, %scan3A_37 : i32
    %scan3A_39 = arith.constant 1 : i32
    %scan3A_40 = scf.for %scan3A_69 = %scan3A_36 to %scan3A_38 step %scan3A_39 iter_args(%scan3A_70 = %scan3A) -> (i32)  : i32 {
      %broadcast_in_dim3A = arith.constant 1228800 : i32
      %broadcast_in_dim3A_71 = vector.broadcast %broadcast_in_dim3A : i32 to vector<16xi32>
      %mul3A_72 = arith.constant 128 : i32
      %mul3A_73 = arith.muli %scan3A_69, %mul3A_72 : i32
      %add3A_74 = arith.constant 0 : i32
      %add3A_75 = arith.addi %mul3A_73, %add3A_74 : i32
      %swap3A = arith.index_cast %add3A_75 : i32 to index
      %swap3A_76 = tpu.vector_load %arg4[%swap3A] {strides = array<i32>} : memref<16256xi32, #tpu.memory_space<vmem>>, vector<16xi32>,
      tpu.vector_store %arg4[%swap3A], %broadcast_in_dim3A_71 {strides = array<i32>} : memref<16256xi32, #tpu.memory_space<vmem>>, vector<16xi32>,
      %broadcast_in_dim3A_77 = arith.constant 1228800 : i32
      %broadcast_in_dim3A_78 = vector.broadcast %broadcast_in_dim3A_77 : i32 to vector<16xi32>
      %mul3A_79 = arith.constant 128 : i32
      %mul3A_80 = arith.muli %scan3A_69, %mul3A_79 : i32
      %add3A_81 = arith.constant 16 : i32
      %add3A_82 = arith.addi %mul3A_80, %add3A_81 : i32
      %swap3A_83 = arith.index_cast %add3A_82 : i32 to index
      %swap3A_84 = tpu.vector_load %arg4[%swap3A_83] {strides = array<i32>} : memref<16256xi32, #tpu.memory_space<vmem>>, vector<16xi32>,
      tpu.vector_store %arg4[%swap3A_83], %broadcast_in_dim3A_78 {strides = array<i32>} : memref<16256xi32, #tpu.memory_space<vmem>>, vector<16xi32>,
      %broadcast_in_dim3A_85 = arith.constant 1228800 : i32
      %broadcast_in_dim3A_86 = vector.broadcast %broadcast_in_dim3A_85 : i32 to vector<16xi32>
      %mul3A_87 = arith.constant 128 : i32
      %mul3A_88 = arith.muli %scan3A_69, %mul3A_87 : i32
      %add3A_89 = arith.constant 32 : i32
      %add3A_90 = arith.addi %mul3A_88, %add3A_89 : i32
      %swap3A_91 = arith.index_cast %add3A_90 : i32 to index
      %swap3A_92 = tpu.vector_load %arg4[%swap3A_91] {strides = array<i32>} : memref<16256xi32, #tpu.memory_space<vmem>>, vector<16xi32>,
      tpu.vector_store %arg4[%swap3A_91], %broadcast_in_dim3A_86 {strides = array<i32>} : memref<16256xi32, #tpu.memory_space<vmem>>, vector<16xi32>,
      %broadcast_in_dim3A_93 = arith.constant 1228800 : i32
      %broadcast_in_dim3A_94 = vector.broadcast %broadcast_in_dim3A_93 : i32 to vector<16xi32>
      %mul3A_95 = arith.constant 128 : i32
      %mul3A_96 = arith.muli %scan3A_69, %mul3A_95 : i32
      %add3A_97 = arith.constant 48 : i32
      %add3A_98 = arith.addi %mul3A_96, %add3A_97 : i32
      %swap3A_99 = arith.index_cast %add3A_98 : i32 to index
      %swap3A_100 = tpu.vector_load %arg4[%swap3A_99] {strides = array<i32>} : memref<16256xi32, #tpu.memory_space<vmem>>, vector<16xi32>,
      tpu.vector_store %arg4[%swap3A_99], %broadcast_in_dim3A_94 {strides = array<i32>} : memref<16256xi32, #tpu.memory_space<vmem>>, vector<16xi32>,
      %broadcast_in_dim3A_101 = arith.constant 1228800 : i32
      %broadcast_in_dim3A_102 = vector.broadcast %broadcast_in_dim3A_101 : i32 to vector<16xi32>
      %mul3A_103 = arith.constant 128 : i32
      %mul3A_104 = arith.muli %scan3A_69, %mul3A_103 : i32
      %add3A_105 = arith.constant 64 : i32
      %add3A_106 = arith.addi %mul3A_104, %add3A_105 : i32
      %swap3A_107 = arith.index_cast %add3A_106 : i32 to index
      %swap3A_108 = tpu.vector_load %arg4[%swap3A_107] {strides = array<i32>} : memref<16256xi32, #tpu.memory_space<vmem>>, vector<16xi32>,
      tpu.vector_store %arg4[%swap3A_107], %broadcast_in_dim3A_102 {strides = array<i32>} : memref<16256xi32, #tpu.memory_space<vmem>>, vector<16xi32>,
      %broadcast_in_dim3A_109 = arith.constant 1228800 : i32
      %broadcast_in_dim3A_110 = vector.broadcast %broadcast_in_dim3A_109 : i32 to vector<16xi32>
      %mul3A_111 = arith.constant 128 : i32
      %mul3A_112 = arith.muli %scan3A_69, %mul3A_111 : i32
      %add3A_113 = arith.constant 80 : i32
      %add3A_114 = arith.addi %mul3A_112, %add3A_113 : i32
      %swap3A_115 = arith.index_cast %add3A_114 : i32 to index
      %swap3A_116 = tpu.vector_load %arg4[%swap3A_115] {strides = array<i32>} : memref<16256xi32, #tpu.memory_space<vmem>>, vector<16xi32>,
      tpu.vector_store %arg4[%swap3A_115], %broadcast_in_dim3A_110 {strides = array<i32>} : memref<16256xi32, #tpu.memory_space<vmem>>, vector<16xi32>,
      %broadcast_in_dim3A_117 = arith.constant 1228800 : i32
      %broadcast_in_dim3A_118 = vector.broadcast %broadcast_in_dim3A_117 : i32 to vector<16xi32>
      %mul3A_119 = arith.constant 128 : i32
      %mul3A_120 = arith.muli %scan3A_69, %mul3A_119 : i32
      %add3A_121 = arith.constant 96 : i32
      %add3A_122 = arith.addi %mul3A_120, %add3A_121 : i32
      %swap3A_123 = arith.index_cast %add3A_122 : i32 to index
      %swap3A_124 = tpu.vector_load %arg4[%swap3A_123] {strides = array<i32>} : memref<16256xi32, #tpu.memory_space<vmem>>, vector<16xi32>,
      tpu.vector_store %arg4[%swap3A_123], %broadcast_in_dim3A_118 {strides = array<i32>} : memref<16256xi32, #tpu.memory_space<vmem>>, vector<16xi32>,
      %broadcast_in_dim3A_125 = arith.constant 1228800 : i32
      %broadcast_in_dim3A_126 = vector.broadcast %broadcast_in_dim3A_125 : i32 to vector<16xi32>
      %mul3A_127 = arith.constant 128 : i32
      %mul3A_128 = arith.muli %scan3A_69, %mul3A_127 : i32
      %add3A_129 = arith.constant 112 : i32
      %add3A_130 = arith.addi %mul3A_128, %add3A_129 : i32
      %swap3A_131 = arith.index_cast %add3A_130 : i32 to index
      %swap3A_132 = tpu.vector_load %arg4[%swap3A_131] {strides = array<i32>} : memref<16256xi32, #tpu.memory_space<vmem>>, vector<16xi32>,
      tpu.vector_store %arg4[%swap3A_131], %broadcast_in_dim3A_126 {strides = array<i32>} : memref<16256xi32, #tpu.memory_space<vmem>>, vector<16xi32>,
      %scan3A_133 = arith.constant 0 : i32
      scf.yield %scan3A_133 : i32
    }
    %scan3A_41 = arith.constant 127 : i32
    %dma_start3A = arith.constant 0 : i32
    %dma_start3A_42 = arith.constant 0 : i32
    %dma_start3A_43 = tpu.memref_slice %arg5[%dma_start3A, %dma_start3A_42] : memref<2x7680xi32, #tpu.memory_space<vmem>> -> memref<1x7680xi32, #tpu.memory_space<vmem>>
    %dma_start3A_44 = tpu.memref_squeeze %dma_start3A_43 : memref<1x7680xi32, #tpu.memory_space<vmem>> -> memref<7680xi32, #tpu.memory_space<vmem>>
    %dma_start3A_45 = arith.constant 0 : i32
    %dma_start3A_46 = tpu.memref_slice %arg2[%select_n3A, %dma_start3A_45] : memref<4x307200xi32, #tpu.memory_space<hbm>> -> memref<1x7680xi32, #tpu.memory_space<hbm>>
    %dma_start3A_47 = tpu.memref_squeeze %dma_start3A_46 : memref<1x7680xi32, #tpu.memory_space<hbm>> -> memref<7680xi32, #tpu.memory_space<hbm>>
    %dma_start3A_48 = arith.constant 0 : i32
    %dma_start3A_49 = tpu.memref_slice %arg5[%dma_start3A, %dma_start3A_48] : memref<2x7680xi32, #tpu.memory_space<vmem>> -> memref<1x7680xi32, #tpu.memory_space<vmem>>
    %dma_start3A_50 = tpu.memref_squeeze %dma_start3A_49 : memref<1x7680xi32, #tpu.memory_space<vmem>> -> memref<7680xi32, #tpu.memory_space<vmem>>
    %dma_start3A_51 = arith.constant 0 : i32
    %dma_start3A_52 = tpu.memref_slice %arg2[%select_n3A, %dma_start3A_51] : memref<4x307200xi32, #tpu.memory_space<hbm>> -> memref<1x7680xi32, #tpu.memory_space<hbm>>
    %dma_start3A_53 = tpu.memref_squeeze %dma_start3A_52 : memref<1x7680xi32, #tpu.memory_space<hbm>> -> memref<7680xi32, #tpu.memory_space<hbm>>
    tpu.enqueue_dma source(%dma_start3A_53 : memref<7680xi32, #tpu.memory_space<hbm>>) target(%dma_start3A_50 : memref<7680xi32, #tpu.memory_space<vmem>>) target_semaphore(%arg6 : memref<!tpu.dma_semaphore, #tpu.memory_space<semaphore_mem>>)
    %mul3A_54 = arith.constant 307200 : i32
    %mul3A_55 = arith.muli %select_n3A, %mul3A_54 : i32
    %add3A_56 = vector.broadcast %mul3A_55 : i32 to vector<16xi32>
    %add3A_57 = arith.addi %add3A_56, %iota3A : vector<16xi32>
    %scan3A_58 = arith.constant 0 : i32
    %scan3A_59 = arith.constant 20 : i32
    %scan3A_60 = arith.addi %scan3A_58, %scan3A_59 : i32
    %scan3A_61 = arith.constant 1 : i32
    %scan3A_62 = scf.for %scan3A_69 = %scan3A_58 to %scan3A_60 step %scan3A_61 iter_args(%scan3A_70 = %add3A_57) -> (vector<16xi32>)  : i32 {
      %mul3A_71 = arith.constant 2 : i32
      %mul3A_72 = arith.muli %mul3A_71, %scan3A_69 : i32
      %add3A_73 = arith.constant 1 : i32
      %add3A_74 = arith.addi %mul3A_72, %add3A_73 : i32
      %mul3A_75 = arith.constant 7680 : i32
      %mul3A_76 = arith.muli %add3A_74, %mul3A_75 : i32
      %dma_start3A_77 = arith.constant 1 : i32
      %dma_start3A_78 = arith.constant 0 : i32
      %dma_start3A_79 = tpu.memref_slice %arg5[%dma_start3A_77, %dma_start3A_78] : memref<2x7680xi32, #tpu.memory_space<vmem>> -> memref<1x7680xi32, #tpu.memory_space<vmem>>
      %dma_start3A_80 = tpu.memref_squeeze %dma_start3A_79 : memref<1x7680xi32, #tpu.memory_space<vmem>> -> memref<7680xi32, #tpu.memory_space<vmem>>
      %dma_start3A_81 = tpu.memref_slice %arg2[%select_n3A, %mul3A_76] : memref<4x307200xi32, #tpu.memory_space<hbm>> -> memref<1x7680xi32, #tpu.memory_space<hbm>>
      %dma_start3A_82 = tpu.memref_squeeze %dma_start3A_81 : memref<1x7680xi32, #tpu.memory_space<hbm>> -> memref<7680xi32, #tpu.memory_space<hbm>>
      %dma_start3A_83 = arith.constant 0 : i32
      %dma_start3A_84 = tpu.memref_slice %arg5[%dma_start3A_77, %dma_start3A_83] : memref<2x7680xi32, #tpu.memory_space<vmem>> -> memref<1x7680xi32, #tpu.memory_space<vmem>>
      %dma_start3A_85 = tpu.memref_squeeze %dma_start3A_84 : memref<1x7680xi32, #tpu.memory_space<vmem>> -> memref<7680xi32, #tpu.memory_space<vmem>>
      %dma_start3A_86 = tpu.memref_slice %arg2[%select_n3A, %mul3A_76] : memref<4x307200xi32, #tpu.memory_space<hbm>> -> memref<1x7680xi32, #tpu.memory_space<hbm>>
      %dma_start3A_87 = tpu.memref_squeeze %dma_start3A_86 : memref<1x7680xi32, #tpu.memory_space<hbm>> -> memref<7680xi32, #tpu.memory_space<hbm>>
      tpu.enqueue_dma source(%dma_start3A_87 : memref<7680xi32, #tpu.memory_space<hbm>>) target(%dma_start3A_85 : memref<7680xi32, #tpu.memory_space<vmem>>) target_semaphore(%arg6 : memref<!tpu.dma_semaphore, #tpu.memory_space<semaphore_mem>>)
      %mul3A_88 = arith.constant 7680 : i32
      %mul3A_89 = arith.muli %mul3A_72, %mul3A_88 : i32
      %dma_wait3A_90 = arith.constant 0 : i32
      %dma_wait3A_91 = arith.constant 0 : i32
      %dma_wait3A_92 = tpu.memref_slice %arg5[%dma_wait3A_90, %dma_wait3A_91] : memref<2x7680xi32, #tpu.memory_space<vmem>> -> memref<1x7680xi32, #tpu.memory_space<vmem>>
      %dma_wait3A_93 = tpu.memref_squeeze %dma_wait3A_92 : memref<1x7680xi32, #tpu.memory_space<vmem>> -> memref<7680xi32, #tpu.memory_space<vmem>>
      %dma_wait3A_94 = tpu.memref_slice %arg2[%select_n3A, %mul3A_89] : memref<4x307200xi32, #tpu.memory_space<hbm>> -> memref<1x7680xi32, #tpu.memory_space<hbm>>
      %dma_wait3A_95 = tpu.memref_squeeze %dma_wait3A_94 : memref<1x7680xi32, #tpu.memory_space<hbm>> -> memref<7680xi32, #tpu.memory_space<hbm>>
      %dma_wait3A_96 = arith.constant 0 : i32
      %dma_wait3A_97 = tpu.memref_slice %arg5[%dma_wait3A_90, %dma_wait3A_96] : memref<2x7680xi32, #tpu.memory_space<vmem>> -> memref<1x7680xi32, #tpu.memory_space<vmem>>
      %dma_wait3A_98 = tpu.memref_squeeze %dma_wait3A_97 : memref<1x7680xi32, #tpu.memory_space<vmem>> -> memref<7680xi32, #tpu.memory_space<vmem>>
      %dma_wait3A_99 = tpu.memref_slice %arg2[%select_n3A, %mul3A_89] : memref<4x307200xi32, #tpu.memory_space<hbm>> -> memref<1x7680xi32, #tpu.memory_space<hbm>>
      %dma_wait3A_100 = tpu.memref_squeeze %dma_wait3A_99 : memref<1x7680xi32, #tpu.memory_space<hbm>> -> memref<7680xi32, #tpu.memory_space<hbm>>
      tpu.wait_dma2 semaphore(%arg6 : memref<!tpu.dma_semaphore, #tpu.memory_space<semaphore_mem>>) src(%dma_wait3A_100 : memref<7680xi32, #tpu.memory_space<hbm>>) dst(%dma_wait3A_98 : memref<7680xi32, #tpu.memory_space<vmem>>)
      %scan3A_101 = arith.constant 0 : i32
      %scan3A_102 = arith.constant 120 : i32
      %scan3A_103 = arith.addi %scan3A_101, %scan3A_102 : i32
      %scan3A_104 = arith.constant 1 : i32
      %scan3A_105 = scf.for %scan3A_131 = %scan3A_101 to %scan3A_103 step %scan3A_104 iter_args(%scan3A_132 = %scan3A_70) -> (vector<16xi32>)  : i32 {
        %mul3A_133 = arith.constant 64 : i32
        %mul3A_134 = arith.muli %scan3A_131, %mul3A_133 : i32
        %add3A_135 = arith.constant 0 : i32
        %add3A_136 = arith.addi %mul3A_134, %add3A_135 : i32
        %get3A = arith.constant 0 : i32
        %get3A_137 = arith.index_cast %get3A : i32 to index
        %get3A_138 = arith.index_cast %add3A_136 : i32 to index
        %get3A_139 = tpu.vector_load %arg5[%get3A_137, %get3A_138] {strides = array<i32>} : memref<2x7680xi32, #tpu.memory_space<vmem>>, vector<16xi32>,
        %ge3A = vector.broadcast %max3A_33 : i32 to vector<16xi32>
        %ge3A_140 = arith.cmpi sge, %get3A_139, %ge3A : vector<16xi32>
        %lt3A_141 = vector.broadcast %add3A_35 : i32 to vector<16xi32>
        %lt3A_142 = arith.cmpi slt, %get3A_139, %lt3A_141 : vector<16xi32>
        %and3A_143 = arith.andi %ge3A_140, %lt3A_142 : vector<16xi1>
        %sub3A_144 = vector.broadcast %mul3A_32 : i32 to vector<16xi32>
        %sub3A_145 = arith.subi %get3A_139, %sub3A_144 : vector<16xi32>
        tpu.vector_store_idx %arg4[%sub3A_145], %scan3A_132 masked %and3A_143 : memref<16256xi32, #tpu.memory_space<vmem>>[vector<16xi32>], vector<16xi32>, vector<16xi1>
        %add3A_146 = arith.constant 16 : i32
        %add3A_147 = vector.broadcast %add3A_146 : i32 to vector<16xi32>
        %add3A_148 = arith.addi %scan3A_132, %add3A_147 : vector<16xi32>
        %add3A_149 = arith.constant 16 : i32
        %add3A_150 = arith.addi %mul3A_134, %add3A_149 : i32
        %get3A_151 = arith.constant 0 : i32
        %get3A_152 = arith.index_cast %get3A_151 : i32 to index
        %get3A_153 = arith.index_cast %add3A_150 : i32 to index
        %get3A_154 = tpu.vector_load %arg5[%get3A_152, %get3A_153] {strides = array<i32>} : memref<2x7680xi32, #tpu.memory_space<vmem>>, vector<16xi32>,
        %ge3A_155 = vector.broadcast %max3A_33 : i32 to vector<16xi32>
        %ge3A_156 = arith.cmpi sge, %get3A_154, %ge3A_155 : vector<16xi32>
        %lt3A_157 = vector.broadcast %add3A_35 : i32 to vector<16xi32>
        %lt3A_158 = arith.cmpi slt, %get3A_154, %lt3A_157 : vector<16xi32>
        %and3A_159 = arith.andi %ge3A_156, %lt3A_158 : vector<16xi1>
        %sub3A_160 = vector.broadcast %mul3A_32 : i32 to vector<16xi32>
        %sub3A_161 = arith.subi %get3A_154, %sub3A_160 : vector<16xi32>
        tpu.vector_store_idx %arg4[%sub3A_161], %add3A_148 masked %and3A_159 : memref<16256xi32, #tpu.memory_space<vmem>>[vector<16xi32>], vector<16xi32>, vector<16xi1>
        %add3A_162 = arith.constant 16 : i32
        %add3A_163 = vector.broadcast %add3A_162 : i32 to vector<16xi32>
        %add3A_164 = arith.addi %add3A_148, %add3A_163 : vector<16xi32>
        %add3A_165 = arith.constant 32 : i32
        %add3A_166 = arith.addi %mul3A_134, %add3A_165 : i32
        %get3A_167 = arith.constant 0 : i32
        %get3A_168 = arith.index_cast %get3A_167 : i32 to index
        %get3A_169 = arith.index_cast %add3A_166 : i32 to index
        %get3A_170 = tpu.vector_load %arg5[%get3A_168, %get3A_169] {strides = array<i32>} : memref<2x7680xi32, #tpu.memory_space<vmem>>, vector<16xi32>,
        %ge3A_171 = vector.broadcast %max3A_33 : i32 to vector<16xi32>
        %ge3A_172 = arith.cmpi sge, %get3A_170, %ge3A_171 : vector<16xi32>
        %lt3A_173 = vector.broadcast %add3A_35 : i32 to vector<16xi32>
        %lt3A_174 = arith.cmpi slt, %get3A_170, %lt3A_173 : vector<16xi32>
        %and3A_175 = arith.andi %ge3A_172, %lt3A_174 : vector<16xi1>
        %sub3A_176 = vector.broadcast %mul3A_32 : i32 to vector<16xi32>
        %sub3A_177 = arith.subi %get3A_170, %sub3A_176 : vector<16xi32>
        tpu.vector_store_idx %arg4[%sub3A_177], %add3A_164 masked %and3A_175 : memref<16256xi32, #tpu.memory_space<vmem>>[vector<16xi32>], vector<16xi32>, vector<16xi1>
        %add3A_178 = arith.constant 16 : i32
        %add3A_179 = vector.broadcast %add3A_178 : i32 to vector<16xi32>
        %add3A_180 = arith.addi %add3A_164, %add3A_179 : vector<16xi32>
        %add3A_181 = arith.constant 48 : i32
        %add3A_182 = arith.addi %mul3A_134, %add3A_181 : i32
        %get3A_183 = arith.constant 0 : i32
        %get3A_184 = arith.index_cast %get3A_183 : i32 to index
        %get3A_185 = arith.index_cast %add3A_182 : i32 to index
        %get3A_186 = tpu.vector_load %arg5[%get3A_184, %get3A_185] {strides = array<i32>} : memref<2x7680xi32, #tpu.memory_space<vmem>>, vector<16xi32>,
        %ge3A_187 = vector.broadcast %max3A_33 : i32 to vector<16xi32>
        %ge3A_188 = arith.cmpi sge, %get3A_186, %ge3A_187 : vector<16xi32>
        %lt3A_189 = vector.broadcast %add3A_35 : i32 to vector<16xi32>
        %lt3A_190 = arith.cmpi slt, %get3A_186, %lt3A_189 : vector<16xi32>
        %and3A_191 = arith.andi %ge3A_188, %lt3A_190 : vector<16xi1>
        %sub3A_192 = vector.broadcast %mul3A_32 : i32 to vector<16xi32>
        %sub3A_193 = arith.subi %get3A_186, %sub3A_192 : vector<16xi32>
        tpu.vector_store_idx %arg4[%sub3A_193], %add3A_180 masked %and3A_191 : memref<16256xi32, #tpu.memory_space<vmem>>[vector<16xi32>], vector<16xi32>, vector<16xi1>
        %add3A_194 = arith.constant 16 : i32
        %add3A_195 = vector.broadcast %add3A_194 : i32 to vector<16xi32>
        %add3A_196 = arith.addi %add3A_180, %add3A_195 : vector<16xi32>
        scf.yield %add3A_196 : vector<16xi32>
      }
      %scan3A_106 = arith.constant 120 : i32
      %lt3A_107 = arith.constant 19 : i32
      %lt3A_108 = arith.cmpi slt, %scan3A_69, %lt3A_107 : i32
      %convert_element_type3A = arith.extui %lt3A_108 : i1 to i32
      %cond3A = arith.constant 0 : i32
      %cond3A_109 = arith.cmpi ne, %convert_element_type3A, %cond3A : i32
      scf.if %cond3A_109 {
        %add3A_131 = arith.constant 2 : i32
        %add3A_132 = arith.addi %mul3A_72, %add3A_131 : i32
        %mul3A_133 = arith.constant 7680 : i32
        %mul3A_134 = arith.muli %add3A_132, %mul3A_133 : i32
        %dma_start3A_135 = arith.constant 0 : i32
        %dma_start3A_136 = arith.constant 0 : i32
        %dma_start3A_137 = tpu.memref_slice %arg5[%dma_start3A_135, %dma_start3A_136] : memref<2x7680xi32, #tpu.memory_space<vmem>> -> memref<1x7680xi32, #tpu.memory_space<vmem>>
        %dma_start3A_138 = tpu.memref_squeeze %dma_start3A_137 : memref<1x7680xi32, #tpu.memory_space<vmem>> -> memref<7680xi32, #tpu.memory_space<vmem>>
        %dma_start3A_139 = tpu.memref_slice %arg2[%select_n3A, %mul3A_134] : memref<4x307200xi32, #tpu.memory_space<hbm>> -> memref<1x7680xi32, #tpu.memory_space<hbm>>
        %dma_start3A_140 = tpu.memref_squeeze %dma_start3A_139 : memref<1x7680xi32, #tpu.memory_space<hbm>> -> memref<7680xi32, #tpu.memory_space<hbm>>
        %dma_start3A_141 = arith.constant 0 : i32
        %dma_start3A_142 = tpu.memref_slice %arg5[%dma_start3A_135, %dma_start3A_141] : memref<2x7680xi32, #tpu.memory_space<vmem>> -> memref<1x7680xi32, #tpu.memory_space<vmem>>
        %dma_start3A_143 = tpu.memref_squeeze %dma_start3A_142 : memref<1x7680xi32, #tpu.memory_space<vmem>> -> memref<7680xi32, #tpu.memory_space<vmem>>
        %dma_start3A_144 = tpu.memref_slice %arg2[%select_n3A, %mul3A_134] : memref<4x307200xi32, #tpu.memory_space<hbm>> -> memref<1x7680xi32, #tpu.memory_space<hbm>>
        %dma_start3A_145 = tpu.memref_squeeze %dma_start3A_144 : memref<1x7680xi32, #tpu.memory_space<hbm>> -> memref<7680xi32, #tpu.memory_space<hbm>>
        tpu.enqueue_dma source(%dma_start3A_145 : memref<7680xi32, #tpu.memory_space<hbm>>) target(%dma_start3A_143 : memref<7680xi32, #tpu.memory_space<vmem>>) target_semaphore(%arg6 : memref<!tpu.dma_semaphore, #tpu.memory_space<semaphore_mem>>)
      } else {
      }
      %add3A_110 = arith.constant 1 : i32
      %add3A_111 = arith.addi %mul3A_72, %add3A_110 : i32
      %mul3A_112 = arith.constant 7680 : i32
      %mul3A_113 = arith.muli %add3A_111, %mul3A_112 : i32
      %dma_wait3A_114 = arith.constant 1 : i32
      %dma_wait3A_115 = arith.constant 0 : i32
      %dma_wait3A_116 = tpu.memref_slice %arg5[%dma_wait3A_114, %dma_wait3A_115] : memref<2x7680xi32, #tpu.memory_space<vmem>> -> memref<1x7680xi32, #tpu.memory_space<vmem>>
      %dma_wait3A_117 = tpu.memref_squeeze %dma_wait3A_116 : memref<1x7680xi32, #tpu.memory_space<vmem>> -> memref<7680xi32, #tpu.memory_space<vmem>>
      %dma_wait3A_118 = tpu.memref_slice %arg2[%select_n3A, %mul3A_113] : memref<4x307200xi32, #tpu.memory_space<hbm>> -> memref<1x7680xi32, #tpu.memory_space<hbm>>
      %dma_wait3A_119 = tpu.memref_squeeze %dma_wait3A_118 : memref<1x7680xi32, #tpu.memory_space<hbm>> -> memref<7680xi32, #tpu.memory_space<hbm>>
      %dma_wait3A_120 = arith.constant 0 : i32
      %dma_wait3A_121 = tpu.memref_slice %arg5[%dma_wait3A_114, %dma_wait3A_120] : memref<2x7680xi32, #tpu.memory_space<vmem>> -> memref<1x7680xi32, #tpu.memory_space<vmem>>
      %dma_wait3A_122 = tpu.memref_squeeze %dma_wait3A_121 : memref<1x7680xi32, #tpu.memory_space<vmem>> -> memref<7680xi32, #tpu.memory_space<vmem>>
      %dma_wait3A_123 = tpu.memref_slice %arg2[%select_n3A, %mul3A_113] : memref<4x307200xi32, #tpu.memory_space<hbm>> -> memref<1x7680xi32, #tpu.memory_space<hbm>>
      %dma_wait3A_124 = tpu.memref_squeeze %dma_wait3A_123 : memref<1x7680xi32, #tpu.memory_space<hbm>> -> memref<7680xi32, #tpu.memory_space<hbm>>
      tpu.wait_dma2 semaphore(%arg6 : memref<!tpu.dma_semaphore, #tpu.memory_space<semaphore_mem>>) src(%dma_wait3A_124 : memref<7680xi32, #tpu.memory_space<hbm>>) dst(%dma_wait3A_122 : memref<7680xi32, #tpu.memory_space<vmem>>)
      %scan3A_125 = arith.constant 0 : i32
      %scan3A_126 = arith.constant 120 : i32
      %scan3A_127 = arith.addi %scan3A_125, %scan3A_126 : i32
      %scan3A_128 = arith.constant 1 : i32
      %scan3A_129 = scf.for %scan3A_131 = %scan3A_125 to %scan3A_127 step %scan3A_128 iter_args(%scan3A_132 = %scan3A_105) -> (vector<16xi32>)  : i32 {
        %mul3A_133 = arith.constant 64 : i32
        %mul3A_134 = arith.muli %scan3A_131, %mul3A_133 : i32
        %add3A_135 = arith.constant 0 : i32
        %add3A_136 = arith.addi %mul3A_134, %add3A_135 : i32
        %get3A = arith.constant 1 : i32
        %get3A_137 = arith.index_cast %get3A : i32 to index
        %get3A_138 = arith.index_cast %add3A_136 : i32 to index
        %get3A_139 = tpu.vector_load %arg5[%get3A_137, %get3A_138] {strides = array<i32>} : memref<2x7680xi32, #tpu.memory_space<vmem>>, vector<16xi32>,
        %ge3A = vector.broadcast %max3A_33 : i32 to vector<16xi32>
        %ge3A_140 = arith.cmpi sge, %get3A_139, %ge3A : vector<16xi32>
        %lt3A_141 = vector.broadcast %add3A_35 : i32 to vector<16xi32>
        %lt3A_142 = arith.cmpi slt, %get3A_139, %lt3A_141 : vector<16xi32>
        %and3A_143 = arith.andi %ge3A_140, %lt3A_142 : vector<16xi1>
        %sub3A_144 = vector.broadcast %mul3A_32 : i32 to vector<16xi32>
        %sub3A_145 = arith.subi %get3A_139, %sub3A_144 : vector<16xi32>
        tpu.vector_store_idx %arg4[%sub3A_145], %scan3A_132 masked %and3A_143 : memref<16256xi32, #tpu.memory_space<vmem>>[vector<16xi32>], vector<16xi32>, vector<16xi1>
        %add3A_146 = arith.constant 16 : i32
        %add3A_147 = vector.broadcast %add3A_146 : i32 to vector<16xi32>
        %add3A_148 = arith.addi %scan3A_132, %add3A_147 : vector<16xi32>
        %add3A_149 = arith.constant 16 : i32
        %add3A_150 = arith.addi %mul3A_134, %add3A_149 : i32
        %get3A_151 = arith.constant 1 : i32
        %get3A_152 = arith.index_cast %get3A_151 : i32 to index
        %get3A_153 = arith.index_cast %add3A_150 : i32 to index
        %get3A_154 = tpu.vector_load %arg5[%get3A_152, %get3A_153] {strides = array<i32>} : memref<2x7680xi32, #tpu.memory_space<vmem>>, vector<16xi32>,
        %ge3A_155 = vector.broadcast %max3A_33 : i32 to vector<16xi32>
        %ge3A_156 = arith.cmpi sge, %get3A_154, %ge3A_155 : vector<16xi32>
        %lt3A_157 = vector.broadcast %add3A_35 : i32 to vector<16xi32>
        %lt3A_158 = arith.cmpi slt, %get3A_154, %lt3A_157 : vector<16xi32>
        %and3A_159 = arith.andi %ge3A_156, %lt3A_158 : vector<16xi1>
        %sub3A_160 = vector.broadcast %mul3A_32 : i32 to vector<16xi32>
        %sub3A_161 = arith.subi %get3A_154, %sub3A_160 : vector<16xi32>
        tpu.vector_store_idx %arg4[%sub3A_161], %add3A_148 masked %and3A_159 : memref<16256xi32, #tpu.memory_space<vmem>>[vector<16xi32>], vector<16xi32>, vector<16xi1>
        %add3A_162 = arith.constant 16 : i32
        %add3A_163 = vector.broadcast %add3A_162 : i32 to vector<16xi32>
        %add3A_164 = arith.addi %add3A_148, %add3A_163 : vector<16xi32>
        %add3A_165 = arith.constant 32 : i32
        %add3A_166 = arith.addi %mul3A_134, %add3A_165 : i32
        %get3A_167 = arith.constant 1 : i32
        %get3A_168 = arith.index_cast %get3A_167 : i32 to index
        %get3A_169 = arith.index_cast %add3A_166 : i32 to index
        %get3A_170 = tpu.vector_load %arg5[%get3A_168, %get3A_169] {strides = array<i32>} : memref<2x7680xi32, #tpu.memory_space<vmem>>, vector<16xi32>,
        %ge3A_171 = vector.broadcast %max3A_33 : i32 to vector<16xi32>
        %ge3A_172 = arith.cmpi sge, %get3A_170, %ge3A_171 : vector<16xi32>
        %lt3A_173 = vector.broadcast %add3A_35 : i32 to vector<16xi32>
        %lt3A_174 = arith.cmpi slt, %get3A_170, %lt3A_173 : vector<16xi32>
        %and3A_175 = arith.andi %ge3A_172, %lt3A_174 : vector<16xi1>
        %sub3A_176 = vector.broadcast %mul3A_32 : i32 to vector<16xi32>
        %sub3A_177 = arith.subi %get3A_170, %sub3A_176 : vector<16xi32>
        tpu.vector_store_idx %arg4[%sub3A_177], %add3A_164 masked %and3A_175 : memref<16256xi32, #tpu.memory_space<vmem>>[vector<16xi32>], vector<16xi32>, vector<16xi1>
        %add3A_178 = arith.constant 16 : i32
        %add3A_179 = vector.broadcast %add3A_178 : i32 to vector<16xi32>
        %add3A_180 = arith.addi %add3A_164, %add3A_179 : vector<16xi32>
        %add3A_181 = arith.constant 48 : i32
        %add3A_182 = arith.addi %mul3A_134, %add3A_181 : i32
        %get3A_183 = arith.constant 1 : i32
        %get3A_184 = arith.index_cast %get3A_183 : i32 to index
        %get3A_185 = arith.index_cast %add3A_182 : i32 to index
        %get3A_186 = tpu.vector_load %arg5[%get3A_184, %get3A_185] {strides = array<i32>} : memref<2x7680xi32, #tpu.memory_space<vmem>>, vector<16xi32>,
        %ge3A_187 = vector.broadcast %max3A_33 : i32 to vector<16xi32>
        %ge3A_188 = arith.cmpi sge, %get3A_186, %ge3A_187 : vector<16xi32>
        %lt3A_189 = vector.broadcast %add3A_35 : i32 to vector<16xi32>
        %lt3A_190 = arith.cmpi slt, %get3A_186, %lt3A_189 : vector<16xi32>
        %and3A_191 = arith.andi %ge3A_188, %lt3A_190 : vector<16xi1>
        %sub3A_192 = vector.broadcast %mul3A_32 : i32 to vector<16xi32>
        %sub3A_193 = arith.subi %get3A_186, %sub3A_192 : vector<16xi32>
        tpu.vector_store_idx %arg4[%sub3A_193], %add3A_180 masked %and3A_191 : memref<16256xi32, #tpu.memory_space<vmem>>[vector<16xi32>], vector<16xi32>, vector<16xi1>
        %add3A_194 = arith.constant 16 : i32
        %add3A_195 = vector.broadcast %add3A_194 : i32 to vector<16xi32>
        %add3A_196 = arith.addi %add3A_180, %add3A_195 : vector<16xi32>
        scf.yield %add3A_196 : vector<16xi32>
      }
      %scan3A_130 = arith.constant 120 : i32
      scf.yield %scan3A_129 : vector<16xi32>
    }
    %scan3A_63 = arith.constant 20 : i32
    %mul3A_64 = arith.constant 16256 : i32
    %mul3A_65 = arith.muli %add3A, %mul3A_64 : i32
    %dma_start3A_66 = tpu.memref_slice %arg3[%mul3A_65] : memref<520192xi32, #tpu.memory_space<hbm>> -> memref<16256xi32, #tpu.memory_space<hbm>>
    %dma_start3A_67 = tpu.memref_slice %arg3[%mul3A_65] : memref<520192xi32, #tpu.memory_space<hbm>> -> memref<16256xi32, #tpu.memory_space<hbm>>
    tpu.enqueue_dma source(%arg4 : memref<16256xi32, #tpu.memory_space<vmem>>) target(%dma_start3A_67 : memref<16256xi32, #tpu.memory_space<hbm>>) target_semaphore(%arg7 : memref<!tpu.dma_semaphore, #tpu.memory_space<semaphore_mem>>)
    %dma_wait3A = tpu.memref_slice %arg3[%mul3A_65] : memref<520192xi32, #tpu.memory_space<hbm>> -> memref<16256xi32, #tpu.memory_space<hbm>>
    %dma_wait3A_68 = tpu.memref_slice %arg3[%mul3A_65] : memref<520192xi32, #tpu.memory_space<hbm>> -> memref<16256xi32, #tpu.memory_space<hbm>>
    tpu.wait_dma2 semaphore(%arg7 : memref<!tpu.dma_semaphore, #tpu.memory_space<semaphore_mem>>) src(%arg4 : memref<16256xi32, #tpu.memory_space<vmem>>) dst(%dma_wait3A_68 : memref<16256xi32, #tpu.memory_space<hbm>>)
    return
  }
}

module attributes {stable_mosaic.version = 14 : i64} {
  func.func @_tc_relayout_body(%arg0: i32, %arg1: i32, %arg2: memref<1x2032x128xf32, #tpu.memory_space<vmem>>, %arg3: memref<1x12x16256xf32, #tpu.memory_space<vmem>>, %arg4: memref<16256x16xf32, #tpu.memory_space<vmem>>) attributes {dimension_semantics = [#tpu.dimension_semantics<arbitrary>, #tpu.dimension_semantics<arbitrary>], iteration_bounds = array<i64: 4, 8>, scalar_prefetch = 0 : i64, scratch_operands = 1 : i64, tpu.core_type = #tpu.core_type<tc>, window_params = [{transform_indices = @transform_0, window_bounds = array<i64: 1, 2032, 128>}, {transform_indices = @transform_1, window_bounds = array<i64: 1, 12, 16256>}]} {
    %iota3A = tpu.iota {dimensions = array<i32: 0>} : vector<12x16xi32>
    %iota3A_0 = tpu.iota {dimensions = array<i32: 1>} : vector<12x16xi32>
    %add3A = arith.constant 0 : i32
    %add3A_1 = vector.broadcast %add3A : i32 to vector<12x16xi32>
    %add3A_2 = arith.addi %iota3A, %add3A_1 : vector<12x16xi32>
    %eq3A = arith.cmpi eq, %add3A_2, %iota3A_0 : vector<12x16xi32>
    %convert_element_type3A = arith.extui %eq3A : vector<12x16xi1> to vector<12x16xi32>
    %convert_element_type3A_3 = arith.sitofp %convert_element_type3A : vector<12x16xi32> to vector<12x16xf32>
    %get3A = arith.constant 0 : index
    %get3A_4 = arith.constant 0 : index
    %get3A_5 = arith.constant 0 : index
    %get3A_6 = vector.load %arg2[%get3A, %get3A_4, %get3A_5] : memref<1x2032x128xf32, #tpu.memory_space<vmem>>, vector<1x2032x128xf32>
    %get3A_7 = vector.shape_cast %get3A_6 : vector<1x2032x128xf32> to vector<2032x128xf32>
    %slice3A = vector.extract_strided_slice %get3A_7 {offsets = [0, 0], sizes = [2032, 16], strides = [1, 1]} : vector<2032x128xf32> to vector<2032x16xf32>
    %swap3A = arith.constant 0 : index
    %swap3A_8 = arith.constant 0 : index
    %swap3A_9 = tpu.strided_load %arg4[%swap3A, %swap3A_8] {strides = array<i32: 8, 1>} : memref<16256x16xf32, #tpu.memory_space<vmem>>, vector<2032x16xf32>
    tpu.strided_store %arg4[%swap3A, %swap3A_8], %slice3A {strides = array<i32: 8, 1>} : memref<16256x16xf32, #tpu.memory_space<vmem>>, vector<2032x16xf32>
    %slice3A_10 = vector.extract_strided_slice %get3A_7 {offsets = [0, 16], sizes = [2032, 16], strides = [1, 1]} : vector<2032x128xf32> to vector<2032x16xf32>
    %swap3A_11 = arith.constant 1 : index
    %swap3A_12 = arith.constant 0 : index
    %swap3A_13 = tpu.strided_load %arg4[%swap3A_11, %swap3A_12] {strides = array<i32: 8, 1>} : memref<16256x16xf32, #tpu.memory_space<vmem>>, vector<2032x16xf32>
    tpu.strided_store %arg4[%swap3A_11, %swap3A_12], %slice3A_10 {strides = array<i32: 8, 1>} : memref<16256x16xf32, #tpu.memory_space<vmem>>, vector<2032x16xf32>
    %slice3A_14 = vector.extract_strided_slice %get3A_7 {offsets = [0, 32], sizes = [2032, 16], strides = [1, 1]} : vector<2032x128xf32> to vector<2032x16xf32>
    %swap3A_15 = arith.constant 2 : index
    %swap3A_16 = arith.constant 0 : index
    %swap3A_17 = tpu.strided_load %arg4[%swap3A_15, %swap3A_16] {strides = array<i32: 8, 1>} : memref<16256x16xf32, #tpu.memory_space<vmem>>, vector<2032x16xf32>
    tpu.strided_store %arg4[%swap3A_15, %swap3A_16], %slice3A_14 {strides = array<i32: 8, 1>} : memref<16256x16xf32, #tpu.memory_space<vmem>>, vector<2032x16xf32>
    %slice3A_18 = vector.extract_strided_slice %get3A_7 {offsets = [0, 48], sizes = [2032, 16], strides = [1, 1]} : vector<2032x128xf32> to vector<2032x16xf32>
    %swap3A_19 = arith.constant 3 : index
    %swap3A_20 = arith.constant 0 : index
    %swap3A_21 = tpu.strided_load %arg4[%swap3A_19, %swap3A_20] {strides = array<i32: 8, 1>} : memref<16256x16xf32, #tpu.memory_space<vmem>>, vector<2032x16xf32>
    tpu.strided_store %arg4[%swap3A_19, %swap3A_20], %slice3A_18 {strides = array<i32: 8, 1>} : memref<16256x16xf32, #tpu.memory_space<vmem>>, vector<2032x16xf32>
    %slice3A_22 = vector.extract_strided_slice %get3A_7 {offsets = [0, 64], sizes = [2032, 16], strides = [1, 1]} : vector<2032x128xf32> to vector<2032x16xf32>
    %swap3A_23 = arith.constant 4 : index
    %swap3A_24 = arith.constant 0 : index
    %swap3A_25 = tpu.strided_load %arg4[%swap3A_23, %swap3A_24] {strides = array<i32: 8, 1>} : memref<16256x16xf32, #tpu.memory_space<vmem>>, vector<2032x16xf32>
    tpu.strided_store %arg4[%swap3A_23, %swap3A_24], %slice3A_22 {strides = array<i32: 8, 1>} : memref<16256x16xf32, #tpu.memory_space<vmem>>, vector<2032x16xf32>
    %slice3A_26 = vector.extract_strided_slice %get3A_7 {offsets = [0, 80], sizes = [2032, 16], strides = [1, 1]} : vector<2032x128xf32> to vector<2032x16xf32>
    %swap3A_27 = arith.constant 5 : index
    %swap3A_28 = arith.constant 0 : index
    %swap3A_29 = tpu.strided_load %arg4[%swap3A_27, %swap3A_28] {strides = array<i32: 8, 1>} : memref<16256x16xf32, #tpu.memory_space<vmem>>, vector<2032x16xf32>
    tpu.strided_store %arg4[%swap3A_27, %swap3A_28], %slice3A_26 {strides = array<i32: 8, 1>} : memref<16256x16xf32, #tpu.memory_space<vmem>>, vector<2032x16xf32>
    %slice3A_30 = vector.extract_strided_slice %get3A_7 {offsets = [0, 96], sizes = [2032, 16], strides = [1, 1]} : vector<2032x128xf32> to vector<2032x16xf32>
    %swap3A_31 = arith.constant 6 : index
    %swap3A_32 = arith.constant 0 : index
    %swap3A_33 = tpu.strided_load %arg4[%swap3A_31, %swap3A_32] {strides = array<i32: 8, 1>} : memref<16256x16xf32, #tpu.memory_space<vmem>>, vector<2032x16xf32>
    tpu.strided_store %arg4[%swap3A_31, %swap3A_32], %slice3A_30 {strides = array<i32: 8, 1>} : memref<16256x16xf32, #tpu.memory_space<vmem>>, vector<2032x16xf32>
    %slice3A_34 = vector.extract_strided_slice %get3A_7 {offsets = [0, 112], sizes = [2032, 16], strides = [1, 1]} : vector<2032x128xf32> to vector<2032x16xf32>
    %swap3A_35 = arith.constant 7 : index
    %swap3A_36 = arith.constant 0 : index
    %swap3A_37 = tpu.strided_load %arg4[%swap3A_35, %swap3A_36] {strides = array<i32: 8, 1>} : memref<16256x16xf32, #tpu.memory_space<vmem>>, vector<2032x16xf32>
    tpu.strided_store %arg4[%swap3A_35, %swap3A_36], %slice3A_34 {strides = array<i32: 8, 1>} : memref<16256x16xf32, #tpu.memory_space<vmem>>, vector<2032x16xf32>
    %get3A_38 = arith.constant 0 : index
    %get3A_39 = arith.constant 0 : index
    %get3A_40 = vector.load %arg4[%get3A_38, %get3A_39] : memref<16256x16xf32, #tpu.memory_space<vmem>>, vector<16256x16xf32>
    %dot_general3A = arith.constant dense<0.000000e+00> : vector<12x16256xf32>
    %dot_general3A_41 = tpu.matmul %convert_element_type3A_3, %get3A_40, %dot_general3A {dimension_numbers = #tpu.dot_dimension_numbers<[1], [1], [0], [0], [0, 0, 1, 0], [], []>, transpose_lhs_hint = false} : vector<12x16xf32>, vector<16256x16xf32>, vector<12x16256xf32> -> vector<12x16256xf32>
    %swap3A_42 = arith.constant 0 : index
    %swap3A_43 = arith.constant 0 : index
    %swap3A_44 = arith.constant 0 : index
    %swap3A_45 = vector.load %arg3[%swap3A_42, %swap3A_43, %swap3A_44] : memref<1x12x16256xf32, #tpu.memory_space<vmem>>, vector<1x12x16256xf32>
    %swap3A_46 = vector.shape_cast %swap3A_45 : vector<1x12x16256xf32> to vector<12x16256xf32>
    %swap3A_47 = vector.shape_cast %dot_general3A_41 : vector<12x16256xf32> to vector<1x12x16256xf32>
    tpu.vector_store %arg3[%swap3A_42, %swap3A_43, %swap3A_44], %swap3A_47 {strides = array<i32>} : memref<1x12x16256xf32, #tpu.memory_space<vmem>>, vector<1x12x16256xf32>,
    return
  }
  func.func @transform_0(%arg0: i32, %arg1: i32) -> (i32, i32, i32) {
    %c0_i32 = arith.constant 0 : i32
    %c0_i32_0 = arith.constant 0 : i32
    return %arg0, %arg1, %c0_i32 : i32, i32, i32
  }
  func.func @transform_1(%arg0: i32, %arg1: i32) -> (i32, i32, i32) {
    %c0_i32 = arith.constant 0 : i32
    %c0_i32_0 = arith.constant 0 : i32
    return %arg0, %c0_i32, %arg1 : i32, i32, i32
  }
}

module attributes {stable_mosaic.version = 14 : i64} {
  func.func @_tc_table_body(%arg0: i32, %arg1: memref<1x13x8x640xf32, #tpu.memory_space<vmem>>, %arg2: memref<8x80x128xf32, #tpu.memory_space<vmem>>, %arg3: memref<8x640x16xf32, #tpu.memory_space<vmem>>) attributes {dimension_semantics = [#tpu.dimension_semantics<arbitrary>], iteration_bounds = array<i64: 241>, scalar_prefetch = 0 : i64, scratch_operands = 1 : i64, tpu.core_type = #tpu.core_type<tc>, window_params = [{transform_indices = @transform_0, window_bounds = array<i64: 1, 13, 8, 640>}, {transform_indices = @transform_1, window_bounds = array<i64: 8, 80, 128>}]} {
    %iota3A = tpu.iota {dimensions = array<i32: 0>} : vector<13x16xi32>
    %iota3A_0 = tpu.iota {dimensions = array<i32: 1>} : vector<13x16xi32>
    %add3A = arith.constant -1 : i32
    %add3A_1 = vector.broadcast %add3A : i32 to vector<13x16xi32>
    %add3A_2 = arith.addi %iota3A, %add3A_1 : vector<13x16xi32>
    %eq3A = arith.cmpi eq, %add3A_2, %iota3A_0 : vector<13x16xi32>
    %convert_element_type3A = arith.extui %eq3A : vector<13x16xi1> to vector<13x16xi32>
    %convert_element_type3A_3 = arith.sitofp %convert_element_type3A : vector<13x16xi32> to vector<13x16xf32>
    %lt3A = arith.constant 240 : i32
    %lt3A_4 = arith.cmpi slt, %arg0, %lt3A : i32
    %convert_element_type3A_5 = arith.extui %lt3A_4 : i1 to i32
    %cond3A = arith.constant 0 : i32
    %cond3A_6 = arith.cmpi ne, %convert_element_type3A_5, %cond3A : i32
    scf.if %cond3A_6 {
      %get3A = arith.constant 0 : index
      %get3A_12 = arith.constant 0 : index
      %get3A_13 = arith.constant 0 : index
      %get3A_14 = arith.constant 0 : index
      %get3A_15 = vector.load %arg1[%get3A, %get3A_12, %get3A_13, %get3A_14] : memref<1x13x8x640xf32, #tpu.memory_space<vmem>>, vector<1x13x8x640xf32>
      %get3A_16 = vector.shape_cast %get3A_15 : vector<1x13x8x640xf32> to vector<13x8x640xf32>
      %dot_general3A = arith.constant dense<0.000000e+00> : vector<8x640x16xf32>
      %dot_general3A_17 = tpu.matmul %get3A_16, %convert_element_type3A_3, %dot_general3A {dimension_numbers = #tpu.dot_dimension_numbers<[0], [0], [1, 2], [1], [0, 1, 0, 2, 1, 1], [], []>, transpose_lhs_hint = false} : vector<13x8x640xf32>, vector<13x16xf32>, vector<8x640x16xf32> -> vector<8x640x16xf32>
      %swap3A = arith.constant 0 : index
      %swap3A_18 = arith.constant 0 : index
      %swap3A_19 = arith.constant 0 : index
      %swap3A_20 = vector.load %arg3[%swap3A, %swap3A_18, %swap3A_19] : memref<8x640x16xf32, #tpu.memory_space<vmem>>, vector<8x640x16xf32>
      tpu.vector_store %arg3[%swap3A, %swap3A_18, %swap3A_19], %dot_general3A_17 {strides = array<i32>} : memref<8x640x16xf32, #tpu.memory_space<vmem>>, vector<8x640x16xf32>,
      %get3A_21 = arith.constant 0 : index
      %get3A_22 = arith.constant 0 : index
      %get3A_23 = arith.constant 0 : index
      %get3A_24 = tpu.strided_load %arg3[%get3A_21, %get3A_22, %get3A_23] {strides = array<i32: 1, 8, 1>} : memref<8x640x16xf32, #tpu.memory_space<vmem>>, vector<8x80x16xf32>
      %swap3A_25 = arith.constant 0 : index
      %swap3A_26 = arith.constant 0 : index
      %swap3A_27 = arith.constant 0 : index
      %swap3A_28 = vector.load %arg2[%swap3A_25, %swap3A_26, %swap3A_27] : memref<8x80x128xf32, #tpu.memory_space<vmem>>, vector<8x80x16xf32>
      tpu.vector_store %arg2[%swap3A_25, %swap3A_26, %swap3A_27], %get3A_24 {strides = array<i32>} : memref<8x80x128xf32, #tpu.memory_space<vmem>>, vector<8x80x16xf32>,
      %get3A_29 = arith.constant 0 : index
      %get3A_30 = arith.constant 1 : index
      %get3A_31 = arith.constant 0 : index
      %get3A_32 = tpu.strided_load %arg3[%get3A_29, %get3A_30, %get3A_31] {strides = array<i32: 1, 8, 1>} : memref<8x640x16xf32, #tpu.memory_space<vmem>>, vector<8x80x16xf32>
      %swap3A_33 = arith.constant 0 : index
      %swap3A_34 = arith.constant 0 : index
      %swap3A_35 = arith.constant 16 : index
      %swap3A_36 = vector.load %arg2[%swap3A_33, %swap3A_34, %swap3A_35] : memref<8x80x128xf32, #tpu.memory_space<vmem>>, vector<8x80x16xf32>
      tpu.vector_store %arg2[%swap3A_33, %swap3A_34, %swap3A_35], %get3A_32 {strides = array<i32>} : memref<8x80x128xf32, #tpu.memory_space<vmem>>, vector<8x80x16xf32>,
      %get3A_37 = arith.constant 0 : index
      %get3A_38 = arith.constant 2 : index
      %get3A_39 = arith.constant 0 : index
      %get3A_40 = tpu.strided_load %arg3[%get3A_37, %get3A_38, %get3A_39] {strides = array<i32: 1, 8, 1>} : memref<8x640x16xf32, #tpu.memory_space<vmem>>, vector<8x80x16xf32>
      %swap3A_41 = arith.constant 0 : index
      %swap3A_42 = arith.constant 0 : index
      %swap3A_43 = arith.constant 32 : index
      %swap3A_44 = vector.load %arg2[%swap3A_41, %swap3A_42, %swap3A_43] : memref<8x80x128xf32, #tpu.memory_space<vmem>>, vector<8x80x16xf32>
      tpu.vector_store %arg2[%swap3A_41, %swap3A_42, %swap3A_43], %get3A_40 {strides = array<i32>} : memref<8x80x128xf32, #tpu.memory_space<vmem>>, vector<8x80x16xf32>,
      %get3A_45 = arith.constant 0 : index
      %get3A_46 = arith.constant 3 : index
      %get3A_47 = arith.constant 0 : index
      %get3A_48 = tpu.strided_load %arg3[%get3A_45, %get3A_46, %get3A_47] {strides = array<i32: 1, 8, 1>} : memref<8x640x16xf32, #tpu.memory_space<vmem>>, vector<8x80x16xf32>
      %swap3A_49 = arith.constant 0 : index
      %swap3A_50 = arith.constant 0 : index
      %swap3A_51 = arith.constant 48 : index
      %swap3A_52 = vector.load %arg2[%swap3A_49, %swap3A_50, %swap3A_51] : memref<8x80x128xf32, #tpu.memory_space<vmem>>, vector<8x80x16xf32>
      tpu.vector_store %arg2[%swap3A_49, %swap3A_50, %swap3A_51], %get3A_48 {strides = array<i32>} : memref<8x80x128xf32, #tpu.memory_space<vmem>>, vector<8x80x16xf32>,
      %get3A_53 = arith.constant 0 : index
      %get3A_54 = arith.constant 4 : index
      %get3A_55 = arith.constant 0 : index
      %get3A_56 = tpu.strided_load %arg3[%get3A_53, %get3A_54, %get3A_55] {strides = array<i32: 1, 8, 1>} : memref<8x640x16xf32, #tpu.memory_space<vmem>>, vector<8x80x16xf32>
      %swap3A_57 = arith.constant 0 : index
      %swap3A_58 = arith.constant 0 : index
      %swap3A_59 = arith.constant 64 : index
      %swap3A_60 = vector.load %arg2[%swap3A_57, %swap3A_58, %swap3A_59] : memref<8x80x128xf32, #tpu.memory_space<vmem>>, vector<8x80x16xf32>
      tpu.vector_store %arg2[%swap3A_57, %swap3A_58, %swap3A_59], %get3A_56 {strides = array<i32>} : memref<8x80x128xf32, #tpu.memory_space<vmem>>, vector<8x80x16xf32>,
      %get3A_61 = arith.constant 0 : index
      %get3A_62 = arith.constant 5 : index
      %get3A_63 = arith.constant 0 : index
      %get3A_64 = tpu.strided_load %arg3[%get3A_61, %get3A_62, %get3A_63] {strides = array<i32: 1, 8, 1>} : memref<8x640x16xf32, #tpu.memory_space<vmem>>, vector<8x80x16xf32>
      %swap3A_65 = arith.constant 0 : index
      %swap3A_66 = arith.constant 0 : index
      %swap3A_67 = arith.constant 80 : index
      %swap3A_68 = vector.load %arg2[%swap3A_65, %swap3A_66, %swap3A_67] : memref<8x80x128xf32, #tpu.memory_space<vmem>>, vector<8x80x16xf32>
      tpu.vector_store %arg2[%swap3A_65, %swap3A_66, %swap3A_67], %get3A_64 {strides = array<i32>} : memref<8x80x128xf32, #tpu.memory_space<vmem>>, vector<8x80x16xf32>,
      %get3A_69 = arith.constant 0 : index
      %get3A_70 = arith.constant 6 : index
      %get3A_71 = arith.constant 0 : index
      %get3A_72 = tpu.strided_load %arg3[%get3A_69, %get3A_70, %get3A_71] {strides = array<i32: 1, 8, 1>} : memref<8x640x16xf32, #tpu.memory_space<vmem>>, vector<8x80x16xf32>
      %swap3A_73 = arith.constant 0 : index
      %swap3A_74 = arith.constant 0 : index
      %swap3A_75 = arith.constant 96 : index
      %swap3A_76 = vector.load %arg2[%swap3A_73, %swap3A_74, %swap3A_75] : memref<8x80x128xf32, #tpu.memory_space<vmem>>, vector<8x80x16xf32>
      tpu.vector_store %arg2[%swap3A_73, %swap3A_74, %swap3A_75], %get3A_72 {strides = array<i32>} : memref<8x80x128xf32, #tpu.memory_space<vmem>>, vector<8x80x16xf32>,
      %get3A_77 = arith.constant 0 : index
      %get3A_78 = arith.constant 7 : index
      %get3A_79 = arith.constant 0 : index
      %get3A_80 = tpu.strided_load %arg3[%get3A_77, %get3A_78, %get3A_79] {strides = array<i32: 1, 8, 1>} : memref<8x640x16xf32, #tpu.memory_space<vmem>>, vector<8x80x16xf32>
      %swap3A_81 = arith.constant 0 : index
      %swap3A_82 = arith.constant 0 : index
      %swap3A_83 = arith.constant 112 : index
      %swap3A_84 = vector.load %arg2[%swap3A_81, %swap3A_82, %swap3A_83] : memref<8x80x128xf32, #tpu.memory_space<vmem>>, vector<8x80x16xf32>
      tpu.vector_store %arg2[%swap3A_81, %swap3A_82, %swap3A_83], %get3A_80 {strides = array<i32>} : memref<8x80x128xf32, #tpu.memory_space<vmem>>, vector<8x80x16xf32>,
    } else {
    }
    %eq3A_7 = arith.constant 240 : i32
    %eq3A_8 = arith.cmpi eq, %arg0, %eq3A_7 : i32
    %convert_element_type3A_9 = arith.extui %eq3A_8 : i1 to i32
    %cond3A_10 = arith.constant 0 : i32
    %cond3A_11 = arith.cmpi ne, %convert_element_type3A_9, %cond3A_10 : i32
    scf.if %cond3A_11 {
      %broadcast_in_dim3A = arith.constant 0.000000e+00 : f32
      %broadcast_in_dim3A_12 = vector.broadcast %broadcast_in_dim3A : f32 to vector<8x80x128xf32>
      %swap3A = arith.constant 0 : index
      %swap3A_13 = arith.constant 0 : index
      %swap3A_14 = arith.constant 0 : index
      %swap3A_15 = vector.load %arg2[%swap3A, %swap3A_13, %swap3A_14] : memref<8x80x128xf32, #tpu.memory_space<vmem>>, vector<8x80x128xf32>
      tpu.vector_store %arg2[%swap3A, %swap3A_13, %swap3A_14], %broadcast_in_dim3A_12 {strides = array<i32>} : memref<8x80x128xf32, #tpu.memory_space<vmem>>, vector<8x80x128xf32>,
    } else {
    }
    return
  }
  func.func @transform_0(%arg0: i32) -> (i32, i32, i32, i32) {
    %jit3A = arith.constant 60 : i32
    %div3A = arith.divsi %arg0, %jit3A : i32
    %sign3A = arith.constant 0 : i32
    %sign3A_0 = arith.cmpi sgt, %arg0, %sign3A : i32
    %sign3A_1 = arith.extui %sign3A_0 : i1 to i32
    %sign3A_2 = arith.constant 0 : i32
    %sign3A_3 = arith.cmpi slt, %arg0, %sign3A_2 : i32
    %sign3A_4 = arith.extui %sign3A_3 : i1 to i32
    %sign3A_5 = arith.subi %sign3A_1, %sign3A_4 : i32
    %sign3A_6 = arith.constant 0 : i32
    %sign3A_7 = arith.cmpi sgt, %jit3A, %sign3A_6 : i32
    %sign3A_8 = arith.extui %sign3A_7 : i1 to i32
    %sign3A_9 = arith.constant 0 : i32
    %sign3A_10 = arith.cmpi slt, %jit3A, %sign3A_9 : i32
    %sign3A_11 = arith.extui %sign3A_10 : i1 to i32
    %sign3A_12 = arith.subi %sign3A_8, %sign3A_11 : i32
    %ne3A = arith.cmpi ne, %sign3A_5, %sign3A_12 : i32
    %rem3A = arith.remsi %arg0, %jit3A : i32
    %ne3A_13 = arith.constant 0 : i32
    %ne3A_14 = arith.cmpi ne, %rem3A, %ne3A_13 : i32
    %and3A = arith.andi %ne3A, %ne3A_14 : i1
    %sub3A = arith.constant 1 : i32
    %sub3A_15 = arith.subi %div3A, %sub3A : i32
    %select_n3A = arith.select %and3A, %sub3A_15, %div3A : i32
    %min3A = arith.constant 3 : i32
    %min3A_16 = arith.minsi %select_n3A, %min3A : i32
    %jit3A_17 = arith.constant 60 : i32
    %eq3A = arith.constant 0 : i32
    %eq3A_18 = arith.cmpi eq, %jit3A_17, %eq3A : i32
    %jit3A_19 = arith.constant 1 : i32
    %select_n3A_20 = arith.select %eq3A_18, %jit3A_19, %jit3A_17 : i32
    %rem3A_21 = arith.remsi %arg0, %select_n3A_20 : i32
    %ne3A_22 = arith.constant 0 : i32
    %ne3A_23 = arith.cmpi ne, %rem3A_21, %ne3A_22 : i32
    %lt3A = arith.constant 0 : i32
    %lt3A_24 = arith.cmpi slt, %rem3A_21, %lt3A : i32
    %lt3A_25 = arith.constant 0 : i32
    %lt3A_26 = arith.cmpi slt, %select_n3A_20, %lt3A_25 : i32
    %ne3A_27 = arith.xori %lt3A_24, %lt3A_26 : i1
    %and3A_28 = arith.andi %ne3A_27, %ne3A_23 : i1
    %add3A = arith.addi %rem3A_21, %select_n3A_20 : i32
    %select_n3A_29 = arith.select %and3A_28, %add3A, %rem3A_21 : i32
    %c0_i32 = arith.constant 0 : i32
    %c0_i32_30 = arith.constant 0 : i32
    %c0_i32_31 = arith.constant 0 : i32
    return %min3A_16, %c0_i32, %select_n3A_29, %c0_i32_30 : i32, i32, i32, i32
  }
  func.func @transform_1(%arg0: i32) -> (i32, i32, i32) {
    %c0_i32 = arith.constant 0 : i32
    %c0_i32_0 = arith.constant 0 : i32
    %c0_i32_1 = arith.constant 0 : i32
    return %arg0, %c0_i32, %c0_i32_0 : i32, i32, i32
  }
}

</mosaic_0001>

<sc_bundles>
// kernel: kernel.6.cloned.1.call-start
scs
__scs_entry_jumppad:
0x0: {  	(pc) =	sbr.rel $0x88, $3  }
0x1: {  	(tag) =	ssettag $0x0;
	lr =	simm.s32 $0x1  }
0x2: {  	[smem:$0x3F9F] =	sst lr;
	_ =	strace $0xD0000000  }
0x3: {  	_ = 	snop  }
0x4: {  	_ = 	snop  }
0x5: {  	_ = 	snop  }
0x6: {  	_ = 	snop  }
0x7: {  	_ = 	snop  }
__scs_overlays_trampoline_lowered:
0x8: {  	[smem:$0x3FAE] =	sst s0  }
0x9: {  	[smem:$0x3FAF] =	sst s1  }
0xa: {  	[smem:$0x3FB0] =	sst s2  }
0xb: {  	[smem:$0x3FB1] =	sst s3  }
0xc: {  	[smem:$0x3FB2] =	sst s4  }
0xd: {  	[smem:$0x3FB3] =	sst s5  }
0xe: {  	[smem:$0x3FB4] =	sst s6  }
0xf: {  	[smem:$0x3FB5] =	sst s7  }
0x10: {  	[smem:$0x3FB6] =	sst s8  }
0x11: {  	[smem:$0x3FB7] =	sst s9;
	s0 =	simm.s32 @!p0 $0x0  }
0x12: {  	s1 =	sld [smem:$0x3F9D];
	s0 =	simm.s32 @p0 $0x1  }
0x13: {  	[smem:$0x3FB8] =	sst s0;
	s0 =	simm.s32 @!p1 $0x0  }
0x14: {  	s2 =	sld [smem:$0x3F9C];
	s0 =	simm.s32 @p1 $0x1  }
0x15: {  	[smem:$0x3FB9] =	sst s0;
	s0 =	simm.s32 @!p2 $0x0  }
0x16: {  	s3 =	sld [smem:$0x3FDB];
	s0 =	simm.s32 @p2 $0x1  }
0x17: {  	s4 =	simm.s32 $0x1BF5;
	[smem:$0x3FBB] =	sst s0  }
0x18: {  	s0 =	sld [smem:$0x3F9E];
	_ =	swait.ge [sflag:s4], $0x0  }
0x19: {  	s7 =	sld [smem:$0x3F9F]  }
0x1a: {  	s8 =	sadd.s32 $0xFFFFE003, lr  }
0x1b: {  	s9 =	sadd.s32 $0xFFFFFEF7, lr;
	s5 =	simm.s32 $0xFFFFFFFF;
	p2 =	slt.u32 s8, $0xFFFFF086  }
0x1c: {  	p1 =	slt.u32 s9, $0xF7A;
	s5 =	simm.s32 @!p2 $0x0  }
0x1d: {  	s5 =	simm.s32 @p1 $0x1;
	p0 =	seq.s32 s7, s2  }
0x1e: {  	s7 =	smul.u32 @!p0 $0xF7A, s2;
	p2 =	seq.s32 @!p0 s5, $0x0  }
0x1f: {  	s9 =	smul.u32 $0xF7A, s1;
	s8 =	simm.s32 @!p0 $0x1BF5;
	p2 =	por !p2, p0  }
0x20: {  	[sflag:s8] =	ssyncset.s32 @!p0 $0xFFFFF086;
	s6 =	sadd.s32 @!p0 s3, s7;
	s7 =	simm.s32 @!p0 $0x108  }
0x21: {  	s3 =	sadd.s32 s3, s9;
	s6 =	sadd.s32 @!p0 $0x88, s6;
	s7 =	simm.s32 @p2 $0x1082  }
0x22: {  	[simem:s7], [sflag:s8] =	dma.local @!p0 [hbm:s6], $0xF7A  }
0x23: {  	s9 =	sor.u32 $0xD0000000, s2;
	s6 =	simm.s32 $0x108;
	_ =	swait.ge @!p0 [sflag:s8], $0x0  }
0x24: {  	s3 =	sadd.s32 $0x88, s3;
	s6 =	simm.s32 @!p1 $0x1082;
	[sflag:s4] =	ssyncset.s32 $0xFFFFF086  }
0x25: {  	[simem:s6], [sflag:s4] =	dma.local [hbm:s3], $0xF7A  }
0x26: {  	[smem:$0x3F9F] =	sst s1;
	(tag) =	ssettag s2;
	_ =	strace s9  }
0x27: {  	s1 =	sld [smem:$0x3FAF]  }
0x28: {  	s2 =	sld [smem:$0x3FB0]  }
0x29: {  	s4 =	sld [smem:$0x3FB2]  }
0x2a: {  	p0 =	seq.s32 s5, $0x0;
	s5 =	sld [smem:$0x3FB3]  }
0x2b: {  	s6 =	sld [smem:$0x3FB4]  }
0x2c: {  	s7 =	sld [smem:$0x3FB5]  }
0x2d: {  	s3 =	simm.s32 $0x108;
	s8 =	sld [smem:$0x3FB6]  }
0x2e: {  	s3 =	simm.s32 @!p0 $0x1082;
	s9 =	sld [smem:$0x3FB7]  }
0x2f: {  	lr =	sadd.s32 s0, s3;
	s0 =	sld [smem:$0x3FAE]  }
0x30: {  	s3 =	sld [smem:$0x3FB1]  }
0x31: {  	[smem:$0x3FBA] =	sst s10  }
0x32: {  	s10 =	sld [smem:$0x3FB8];
	_ =	sdelay $0x3  }
0x33: {  	p0 =	seq.s32 s10, $0x1;
	s10 =	sld [smem:$0x3FBA];
	_ =	sdelay $0x3  }
0x34: {  	[smem:$0x3FBA] =	sst s10  }
0x35: {  	s10 =	sld [smem:$0x3FB9];
	_ =	sdelay $0x3  }
0x36: {  	p1 =	seq.s32 s10, $0x1;
	s10 =	sld [smem:$0x3FBA];
	_ =	sdelay $0x3  }
0x37: {  	[smem:$0x3FBA] =	sst s10  }
0x38: {  	s10 =	sld [smem:$0x3FBB]  }
0x39: {  	_ = 	snop;
	(pc) =	sbr.ind lr, $3  }
0x3a: {  	_ = 	snop  }
0x3b: {  	_ = 	snop  }
0x3c: {  	p2 =	seq.s32 s10, $0x1;
	s10 =	sld [smem:$0x3FBA]  }
0x3d: {  	_ =	shalt  }
0x3e: {  	_ =	shalt  }
0x3f: {  	_ =	shalt  }
0x40: {  	_ =	shalt  }
0x41: {  	_ =	shalt  }
0x42: {  	_ =	shalt  }
0x43: {  	_ =	shalt  }
0x44: {  	_ =	shalt  }
0x45: {  	_ =	shalt  }
0x46: {  	_ =	shalt  }
0x47: {  	_ =	shalt  }
0x48: {  	_ =	shalt  }
0x49: {  	_ =	shalt  }
0x4a: {  	_ =	shalt  }
0x4b: {  	_ =	shalt  }
0x4c: {  	_ =	shalt  }
0x4d: {  	_ =	shalt  }
0x4e: {  	_ =	shalt  }
0x4f: {  	_ =	shalt  }
0x50: {  	_ =	shalt  }
0x51: {  	_ =	shalt  }
0x52: {  	_ =	shalt  }
0x53: {  	_ =	shalt  }
0x54: {  	_ =	shalt  }
0x55: {  	_ =	shalt  }
0x56: {  	_ =	shalt  }
0x57: {  	_ =	shalt  }
0x58: {  	_ =	shalt  }
0x59: {  	_ =	shalt  }
0x5a: {  	_ =	shalt  }
0x5b: {  	_ =	shalt  }
0x5c: {  	_ =	shalt  }
0x5d: {  	_ =	shalt  }
0x5e: {  	_ =	shalt  }
0x5f: {  	_ =	shalt  }
0x60: {  	_ =	shalt  }
0x61: {  	_ =	shalt  }
0x62: {  	_ =	shalt  }
0x63: {  	_ =	shalt  }
0x64: {  	_ =	shalt  }
0x65: {  	_ =	shalt  }
0x66: {  	_ =	shalt  }
0x67: {  	_ =	shalt  }
0x68: {  	_ =	shalt  }
0x69: {  	_ =	shalt  }
0x6a: {  	_ =	shalt  }
0x6b: {  	_ =	shalt  }
0x6c: {  	_ =	shalt  }
0x6d: {  	_ =	shalt  }
0x6e: {  	_ =	shalt  }
0x6f: {  	_ =	shalt  }
0x70: {  	_ =	shalt  }
0x71: {  	_ =	shalt  }
0x72: {  	_ =	shalt  }
0x73: {  	_ =	shalt  }
0x74: {  	_ =	shalt  }
0x75: {  	_ =	shalt  }
0x76: {  	_ =	shalt  }
0x77: {  	_ =	shalt  }
0x78: {  	_ =	shalt  }
0x79: {  	_ =	shalt  }
0x7a: {  	_ =	shalt  }
0x7b: {  	_ =	shalt  }
0x7c: {  	_ =	shalt  }
0x7d: {  	_ =	shalt  }
0x7e: {  	_ =	shalt  }
0x7f: {  	_ =	shalt  }
0x80: {  	_ =	shalt  }
0x81: {  	_ =	shalt  }
0x82: {  	_ =	shalt  }
0x83: {  	_ =	shalt  }
0x84: {  	_ =	shalt  }
0x85: {  	_ =	shalt  }
0x86: {  	_ =	shalt  }
0x87: {  	_ =	shalt  }
.Lfunc_end0:
.L_simem_size_0:
called_computation_lowered:
.L_overlay_start_0:
0x88: {  	s2 =	sld [smem:$0x3FD9]  }
0x89: {  	s3 =	sld [smem:$0x3FFE];
	_ =	sdelay $0x1  }
0x8a: {  	s1 =	srdreg.scid  }
0x8b: {  	s0 =	sand.u32 $0x1, s1  }
0x8c: {  	s17 =	sshll.u32 s0, $0xA;
	s2 =	sadd.s32 s3, s2  }
0x8d: {  	s2 =	sadd.s32 s2, s17  }
0x8e: {  	[smem:$0x3FC6] =	sst s2  }
0x8f: {  	_ = 	snop  }
0x90: {  	s2 =	sld [smem:$0x3FD0];
	(tm) =	ssettm $0x1  }
0x91: {  	s18 =	sld [smem:$0x3FFB];
	_ =	sdelay $0x3  }
0x92: {  	_ =	strace s18  }
0x93: {  	s3 =	sld [smem:$0x3FFC];
	_ =	sdelay $0x3  }
0x94: {  	_ =	strace s3  }
0x95: {  	s3 =	sld [smem:$0x3FFD];
	_ =	sdelay $0x3  }
0x96: {  	_ =	strace s3  }
0x97: {  	_ =	strace $0x8FFFFFFF  }
0x98: {  	s19 =	sld [smem:$0x3FDB];
	_ =	sdelay $0x1  }
0x99: {  	s4 =	simm.s32 $_scs_section_size  }
0x9a: {  	s5 =	simm.s32 $_size__tile_overlayer_lowered;
	s6 =	simm.s32 $_tile_overlayer_lowered  }
0x9b: {  	s22 =	simm.s32 $0x1BFF;
	s21 =	sshll.u32 s6, $0x1;
	s3 =	sadd.s32 s4, s19  }
0x9c: {  	s7 =	simm.s32 $0x0;
	s20 =	sshll.u32 s5, $0x1;
	s5 =	sadd.s32 s21, s3  }
0x9d: {  	[timem:s7], [sflag:s22] =	dma.local [hbm:s5], s20  }
0x9e: {  	_ =	swait.ge [sflag:s22], s20  }
0x9f: {  	s4 =	ssub.s32 $0x0, s20;
	[sflag:s22] =	ssyncset.done $0x0  }
0xa0: {  	[sflag:s22] =	ssyncadd.s32 s4;
	_ =	sdelay $0x1  }
0xa1: {  	s23 =	simm.s32 $0x1B8B  }
0xa2: {  	_ =	swait.ge [sflag:s23], $0x1  }
0xa3: {  	[sflag:s23] =	ssyncset.done $0x0  }
0xa4: {  	s25 =	simm.s32 $0x1B8E;
	s24 =	sld [smem:$0x3FFE];
	[sflag:s23] =	ssyncadd.s32 $0xFFFFFFFF  }
0xa5: {  	s26 =	simm.s32 $execute0_lowered;
	[smem:$0x3FD2] =	sst s25  }
0xa6: {  	s5 =	sshll.u32 s26, $0x1;
	_ =	strace $0x80000046;
	[dreg:$0x1] =	wrdreg $0xFFFFFFFF  }
0xa7: {  	s28 =	simm.s32 $_size_execute0_lowered;
	s3 =	sadd.s32 s3, s5;
	[dreg:$0x0] =	wrdreg $0x0  }
0xa8: {  	s5 =	sshll.u32 s28, $0x1;
	[dreg:$0x2] =	wrdreg s3  }
0xa9: {  	[dreg:$0x3] =	wrdreg s5  }
0xaa: {  	[dreg:$0x4] =	wrdreg $0xC0  }
0xab: {  	_ =	task [dreg:s7], $0x5FFFF  }
0xac: {  	[dreg:$0x1] =	wrdreg $0xFFFFFFFF  }
0xad: {  	[dreg:$0x0] =	wrdreg $0x60  }
0xae: {  	[dreg:$0x2] =	wrdreg s2  }
0xaf: {  	[dreg:$0x3] =	wrdreg s24  }
0xb0: {  	[dreg:$0x4] =	wrdreg $0x9  }
0xb1: {  	_ =	task.clear_ibuf [dreg:s7], $0x5FFFF;
	_ =	strace $0x90000046  }
0xb2: {  	s29 =	simm.s32 $0x9;
	_ =	strace $0x80000048  }
0xb3: {  	_ =	swait.ge [sflag:s29], $0x1  }
0xb4: {  	[sflag:s29] =	ssyncadd.s32 $0xFFFFFFFF  }
0xb5: {  	_ =	strace $0x90000048  }
0xb6: {  	_ =	sfence  }
0xb7: {  	s30 =	sld [smem:$0x0];
	_ =	sdelay $0x2  }
0xb8: {  	s31 =	sshll.u32 s1, $0xD;
	s1 =	sshrl.u32 s1, $0x2  }
0xb9: {  	s3 =	sand.u32 $0x4000, s31;
	s1 =	sadd.s32 s1, s30  }
0xba: {  	s0 =	sor.u32 s3, s0;
	s1 =	sshll.u32 s1, $0x11  }
0xbb: {  	s0 =	sor.u32 s1, s0  }
0xbc: {  	s0 =	sadd.s32 $0x8F2B, s0  }
0xbd: {  	[sflag:s0] =	ssyncadd.remote.s32 $0x1  }
0xbe: {  	_ =	sfence.sel $0xFFFF  }
0xbf: {  	[dreg:$0x0] =	wrdreg $0xFFFFFFFF;
	(pc) =	sbr.abs _section_cstart, $3  }
0xc0: {  	[dreg:$0x1] =	wrdreg $0xFFFFFFFF  }
0xc1: {  	_ =	task.clear_ibuf [dreg:s7], $0x2FFFF;
	_ =	strace $0x9FFFFFFF  }
0xc2: {  	(tm) =	ssettm $0x7FFFFFFF  }
0xc3: {  	_ =	shalt  }
tec
execute0_lowered:
.L_overlay_start_1:
0x0: {  	(tag) =	ssettag $0x1  }
0x1: {  	s2 =	rddreg [dreg:$0x0]  }
0x2: {  	s1 =	srdreg.scid;
	s0 =	stileid.u32  }
0x3: {  	s4 =	rddreg [dreg:$0x1];
	s3 =	simm.s32 $0x0;
	s13 =	simm.s32 $0x0  }
0x4: {  	s5 =	sand.u32 $0x1, s1;
	s6 =	sshll.u32 s0, $0x1;
	s1 =	rddreg [dreg:$0x2]  }
0x5: {  	[smem:$0x7FF] =	sst s3;
	s8 =	sshrl.u32 s0, $0x2;
	s6 =	sor.u32 s5, s6  }
0x6: {  	s5 =	ssub.s32 $0x2, s5;
	s8 =	smul.u32 $0x4B000, s8;
	_ =	strace $0x80000047  }
0x7: {  	s7 =	smul.u32 $0x7F0, s6;
	s6 =	sand.u32 $0x7, s6;
	s9 =	sshrl.u32 s5, $0x1  }
0x8: {  	s11 =	smul.u32 $0x3F48, s6;
	s9 =	ssub.s32 s5, s9;
	s31 =	sshrl.u32 s8, $0x3  }
0x9: {  	v0 =	vlaneseq.u32;
	s5 =	sadd.s32 $0x1E00, s8;
	s6 =	sadd.s32 $0x3C00, s8;
	s7 =	sadd.s32 s7, s4  }
0xa: {  	v0 =	vor.u32 s8, v0;
	s4 =	sadd.s32 s2, s31;
	s8 =	smax.u32 s9, $0x1;
	s9 =	simm.s32 $0x3F80  }
0xb: {  	v4 =	vimm.s32 $0x12C000;
	s10 =	smax.u32 s11, $0x1;
	s12 =	sadd.s32 $0x3F48, s11;
	s7 =	sadd.s32 $0x800, s7  }
0xc: {  	v3 =	vmov s11;
	s11 =	simm.s32 $0x1;
	v1 =	vmov s10;
	s10 =	simm.s32 $0x5D80;
	v2 =	vmov s12;
	s12 =	simm.s32 $0x2  }
.LBB2_1:
0xd: {  	s14 =	simm.s32 $0x0;
	s15 =	simm.s32 $0x200  }
.LBB2_2:
0xe: {  	p0 =	sne.s32 s15, $0xFC00;
	[tilespmem:s14+$0x70] =	vst v4  }
0xf: {  	[tilespmem:s14+$0x0] =	vst v4  }
0x10: {  	[tilespmem:s14+$0x10] =	vst v4  }
.Ltmp0:
0x11: {  	[tilespmem:s14+$0x20] =	vst v4;
	(pc) =	sbr.rel @p0 .LBB2_2-.Ltmp0, $4  }
0x12: {  	[tilespmem:s14+$0x30] =	vst v4  }
0x13: {  	[tilespmem:s14+$0x40] =	vst v4  }
0x14: {  	[tilespmem:s14+$0x50] =	vst v4  }
0x15: {  	[tilespmem:s14+$0x60] =	vst v4;
	s14 =	sshra.s32 s15, $0x2;
	s15 =	sadd.s32 $0x200, s15  }
0x16: {  	[tilespmem:s14+$0x70] =	vst v4  }
0x17: {  	[tilespmem:s14+$0x0] =	vst v4  }
0x18: {  	[tilespmem:s14+$0x10] =	vst v4  }
0x19: {  	[tilespmem:s14+$0x20] =	vst v4  }
0x1a: {  	[tilespmem:s14+$0x30] =	vst v4  }
0x1b: {  	[tilespmem:s14+$0x40] =	vst v4  }
0x1c: {  	[tilespmem:s14+$0x50] =	vst v4  }
0x1d: {  	[tilespmem:s14+$0x60] =	vst v4;
	s14 =	simm.s32 $0x0;
	s15 =	simm.s32 $0x0  }
0x1e: {  	v5 =	vmov v0;
	[tilespmem:s9], [sflag:$0x1] =	stream.linear.gather [hbm4b:s4+s14], $0x1E00, $0x38;
	[tilespmem:$0x7B80] =	vst v63  }
.LBB2_4:
0x1f: {  	s16 =	smul.u32 $0x3C00, s15;
	_ =	sdelay $0x1  }
0x20: {  	s17 =	sadd.s32 s16, s5  }
0x21: {  	s17 =	sshrl.u32 s17, $0x3  }
0x22: {  	s17 =	sadd.s32 s2, s17  }
0x23: {  	[tilespmem:s10], [sflag:$0x1] =	stream.linear.gather [hbm4b:s17+s14], $0x1E00, $0x38;
	[tilespmem:$0x7B80] =	vst v63  }
0x24: {  	_ =	swait.ge [sflag:s11], $0x1E00  }
0x25: {  	[sflag:s11] =	ssyncset.done $0x0  }
0x26: {  	s17 =	simm.s32 $0x0;
	[sflag:s11] =	ssyncadd.s32 $0xFFFFE200  }
.LBB2_5:
0x27: {  	s18 =	sshra.s32 s17, $0x2  }
0x28: {  	v6 =	vld [tilespmem:s18+$0x3F80];
	_ =	sdelay $0x4  }
0x29: {  	vm0 =	vge.s32 v6, v1;
	vm1 =	vlt.s32 v6, v2;
	v7 =	vsub.s32 v6, v3  }
0x2a: {  	v6 =	vand.u32 $0x7, v6;
	vm0 =	vmand vm0, vm1;
	v7 =	vand.u32 $0xFFFFFFF8, v7  }
0x2b: {  	v6 =	vor.u32 v6, v7;
	_ =	sdelay $0x4  }
0x2c: {  	[tilespmem:v6+s3+$0x0] =	vst.idx.msk vm0, v5  }
0x2d: {  	v6 =	vld [tilespmem:s18+$0x3F90];
	_ =	sdelay $0x4  }
0x2e: {  	vm10 =	vge.s32 v6, v1;
	vm11 =	vlt.s32 v6, v2;
	v7 =	vsub.s32 v6, v3  }
0x2f: {  	v6 =	vand.u32 $0x7, v6;
	vm0 =	vmand vm10, vm11;
	v7 =	vand.u32 $0xFFFFFFF8, v7  }
0x30: {  	v6 =	vor.u32 v6, v7;
	_ =	sdelay $0x3  }
0x31: {  	v7 =	vadd.s32 $0x10, v5  }
0x32: {  	[tilespmem:v6+s3+$0x0] =	vst.idx.msk vm0, v7  }
0x33: {  	v6 =	vld [tilespmem:s18+$0x3FA0];
	_ =	sdelay $0x4  }
0x34: {  	vm12 =	vge.s32 v6, v1;
	vm13 =	vlt.s32 v6, v2;
	v7 =	vsub.s32 v6, v3  }
0x35: {  	v6 =	vand.u32 $0x7, v6;
	vm0 =	vmand vm12, vm13;
	v7 =	vand.u32 $0xFFFFFFF8, v7  }
0x36: {  	v6 =	vor.u32 v6, v7;
	_ =	sdelay $0x3  }
0x37: {  	v7 =	vadd.s32 $0x20, v5  }
0x38: {  	[tilespmem:v6+s3+$0x0] =	vst.idx.msk vm0, v7  }
0x39: {  	v6 =	vld [tilespmem:s18+$0x3FB0];
	_ =	sdelay $0x4  }
0x3a: {  	vm14 =	vge.s32 v6, v1;
	vm15 =	vlt.s32 v6, v2;
	v7 =	vsub.s32 v6, v3  }
0x3b: {  	v6 =	vand.u32 $0x7, v6;
	vm0 =	vmand vm14, vm15;
	v7 =	vand.u32 $0xFFFFFFF8, v7  }
0x3c: {  	p0 =	sne.s32 s17, $0x7700;
	v6 =	vor.u32 v6, v7  }
.Ltmp1:
0x3d: {  	_ = 	snop;
	(pc) =	sbr.rel @p0 .LBB2_5-.Ltmp1, $3  }
0x3e: {  	_ =	sdelay $0x1  }
0x3f: {  	v7 =	vadd.s32 $0x30, v5  }
0x40: {  	s17 =	sadd.s32 $0x100, s17;
	v5 =	vadd.s32 $0x40, v5;
	[tilespmem:v6+s3+$0x0] =	vst.idx.msk vm0, v7  }
0x41: {  	p0 =	seq.s32 s15, $0x13  }
0x42: {  	s16 =	sadd.s32 @!p0 s16, s6  }
0x43: {  	s16 =	sshrl.u32 @!p0 s16, $0x3  }
0x44: {  	s17 =	simm.s32 @!p0 $0x0;
	s18 =	simm.s32 @!p0 $0x3F80;
	s16 =	sadd.s32 @!p0 s2, s16  }
0x45: {  	[tilespmem:s18], [sflag:$0x1] =	stream.linear.gather @!p0 [hbm4b:s16+s17], $0x1E00, $0x38;
	[tilespmem:$0x7B80] =	vst v63  }
0x46: {  	_ =	swait.ge [sflag:s11], $0x1E00  }
0x47: {  	[sflag:s11] =	ssyncset.done $0x0  }
0x48: {  	s16 =	simm.s32 $0x0;
	[sflag:s11] =	ssyncadd.s32 $0xFFFFE200  }
.LBB2_7:
0x49: {  	s17 =	sshra.s32 s16, $0x2  }
0x4a: {  	v6 =	vld [tilespmem:s17+$0x5D80];
	_ =	sdelay $0x4  }
0x4b: {  	vm0 =	vge.s32 v6, v1;
	vm1 =	vlt.s32 v6, v2;
	v7 =	vsub.s32 v6, v3  }
0x4c: {  	v6 =	vand.u32 $0x7, v6;
	vm0 =	vmand vm0, vm1;
	v7 =	vand.u32 $0xFFFFFFF8, v7  }
0x4d: {  	v6 =	vor.u32 v6, v7;
	_ =	sdelay $0x4  }
0x4e: {  	[tilespmem:v6+s3+$0x0] =	vst.idx.msk vm0, v5  }
0x4f: {  	v6 =	vld [tilespmem:s17+$0x5D90];
	_ =	sdelay $0x4  }
0x50: {  	vm10 =	vge.s32 v6, v1;
	vm11 =	vlt.s32 v6, v2;
	v7 =	vsub.s32 v6, v3  }
0x51: {  	v6 =	vand.u32 $0x7, v6;
	vm0 =	vmand vm10, vm11;
	v7 =	vand.u32 $0xFFFFFFF8, v7  }
0x52: {  	v6 =	vor.u32 v6, v7;
	_ =	sdelay $0x3  }
0x53: {  	v7 =	vadd.s32 $0x10, v5  }
0x54: {  	[tilespmem:v6+s3+$0x0] =	vst.idx.msk vm0, v7  }
0x55: {  	v6 =	vld [tilespmem:s17+$0x5DA0];
	_ =	sdelay $0x4  }
0x56: {  	vm12 =	vge.s32 v6, v1;
	vm13 =	vlt.s32 v6, v2;
	v7 =	vsub.s32 v6, v3  }
0x57: {  	v6 =	vand.u32 $0x7, v6;
	vm0 =	vmand vm12, vm13;
	v7 =	vand.u32 $0xFFFFFFF8, v7  }
0x58: {  	v6 =	vor.u32 v6, v7;
	_ =	sdelay $0x3  }
0x59: {  	v7 =	vadd.s32 $0x20, v5  }
0x5a: {  	[tilespmem:v6+s3+$0x0] =	vst.idx.msk vm0, v7  }
0x5b: {  	v6 =	vld [tilespmem:s17+$0x5DB0];
	_ =	sdelay $0x4  }
0x5c: {  	vm14 =	vge.s32 v6, v1;
	vm15 =	vlt.s32 v6, v2;
	v7 =	vsub.s32 v6, v3  }
0x5d: {  	v6 =	vand.u32 $0x7, v6;
	vm0 =	vmand vm14, vm15;
	v7 =	vand.u32 $0xFFFFFFF8, v7  }
0x5e: {  	p0 =	sne.s32 s16, $0x7700;
	v6 =	vor.u32 v6, v7  }
.Ltmp2:
0x5f: {  	_ = 	snop;
	(pc) =	sbr.rel @p0 .LBB2_7-.Ltmp2, $3  }
0x60: {  	_ =	sdelay $0x1  }
0x61: {  	v7 =	vadd.s32 $0x30, v5  }
0x62: {  	s16 =	sadd.s32 $0x100, s16;
	v5 =	vadd.s32 $0x40, v5;
	[tilespmem:v6+s3+$0x0] =	vst.idx.msk vm0, v7  }
0x63: {  	s15 =	sadd.s32 $0x1, s15  }
0x64: {  	p0 =	sne.s32 s15, $0x14  }
.Ltmp3:
0x65: {  	_ = 	snop;
	(pc) =	sbr.rel @p0 .LBB2_4-.Ltmp3, $1  }
0x66: {  	_ =	sdelay $0x3  }
0x67: {  	s13 =	sadd.s32 $0x1, s13  }
0x68: {  	p0 =	sne.s32 s13, s8  }
.Ltmp4:
0x69: {  	_ = 	snop;
	(pc) =	sbr.rel @p0 .LBB2_1-.Ltmp4, $4  }
0x6a: {  	[hbm4b:s7+s3] =	stream.linear.scatter [tilespmem:s3], [sflag:$0x2], $0x3F80, $0x38;
	[tilespmem:$0x7B80] =	vst v63  }
0x6b: {  	_ =	swait.ge [sflag:s12], $0x3F80  }
0x6c: {  	[sflag:s12] =	ssyncset.done $0x0  }
0x6d: {  	[sflag:s12] =	ssyncadd.s32 $0xFFFFC080  }
0x6e: {  	_ =	sfence.sel $0x180000  }
0x6f: {  	[bflag:$0x0] =	sbarrier.arrive $0xFFFF  }
0x70: {  	p0 =	sne.s32 s0, $0x0;
	_ =	strace $0x90000047  }
0x71: {  	s0 =	sadd.s32 @!p0 $0x100000, s1;
	[bflag:$0x2] =	sbarrier.arrive $0xFFFF  }
0x72: {  	[sflag:s0] =	ssyncadd.tile.s32 @!p0 $0x1;
	_ =	shalt  }
.Lfunc_end2:
_tile_overlayer_lowered:
.L_overlay_start_2:
0x73: {  	(tag) =	ssettag $0x2  }
0x74: {  	s0 =	rddreg [dreg:$0x0];
	s2 =	stileid.u32  }
0x75: {  	s1 =	rddreg [dreg:$0x1];
	p0 =	sne.s32 s2, $0x0  }
0x76: {  	s3 =	rddreg [dreg:$0x2];
	[bflag:$0x3] =	sbarrier.arrive $0xFFFF;
	s2 =	simm.s32 @!p0 $0x1C03  }
0x77: {  	[timem:s3], [sflag:s2] =	dma.local @!p0 [hbm:s0], s1  }
0x78: {  	s0 =	simm.s32 @!p0 $0x3  }
0x79: {  	_ =	swait.ge @!p0 [sflag:s0], s1  }
0x7a: {  	s1 =	ssub.s32 @!p0 $0x0, s1;
	[sflag:s0] =	ssyncset.done @!p0 $0x0  }
0x7b: {  	[sflag:s0] =	ssyncadd.s32 @!p0 s1  }
0x7c: {  	[bflag:$0x3] =	sbarrier.arrive $0xFFFF  }
0x7d: {  	_ =	shalt  }

// kernel: kernel.9.cloned.1.call-start
scs
__scs_entry_jumppad:
0x0: {  	(pc) =	sbr.rel $0x88, $3  }
0x1: {  	(tag) =	ssettag $0x0;
	lr =	simm.s32 $0x1  }
0x2: {  	[smem:$0x3F9F] =	sst lr;
	_ =	strace $0xD0000000  }
0x3: {  	_ = 	snop  }
0x4: {  	_ = 	snop  }
0x5: {  	_ = 	snop  }
0x6: {  	_ = 	snop  }
0x7: {  	_ = 	snop  }
__scs_overlays_trampoline_lowered:
0x8: {  	[smem:$0x3FAE] =	sst s0  }
0x9: {  	[smem:$0x3FAF] =	sst s1  }
0xa: {  	[smem:$0x3FB0] =	sst s2  }
0xb: {  	[smem:$0x3FB1] =	sst s3  }
0xc: {  	[smem:$0x3FB2] =	sst s4  }
0xd: {  	[smem:$0x3FB3] =	sst s5  }
0xe: {  	[smem:$0x3FB4] =	sst s6  }
0xf: {  	[smem:$0x3FB5] =	sst s7  }
0x10: {  	[smem:$0x3FB6] =	sst s8  }
0x11: {  	[smem:$0x3FB7] =	sst s9;
	s0 =	simm.s32 @!p0 $0x0  }
0x12: {  	s1 =	sld [smem:$0x3F9D];
	s0 =	simm.s32 @p0 $0x1  }
0x13: {  	[smem:$0x3FB8] =	sst s0;
	s0 =	simm.s32 @!p1 $0x0  }
0x14: {  	s2 =	sld [smem:$0x3F9C];
	s0 =	simm.s32 @p1 $0x1  }
0x15: {  	[smem:$0x3FB9] =	sst s0;
	s0 =	simm.s32 @!p2 $0x0  }
0x16: {  	s3 =	sld [smem:$0x3FDB];
	s0 =	simm.s32 @p2 $0x1  }
0x17: {  	s4 =	simm.s32 $0x1BF5;
	[smem:$0x3FBB] =	sst s0  }
0x18: {  	s0 =	sld [smem:$0x3F9E];
	_ =	swait.ge [sflag:s4], $0x0  }
0x19: {  	s7 =	sld [smem:$0x3F9F]  }
0x1a: {  	s8 =	sadd.s32 $0xFFFFE003, lr  }
0x1b: {  	s9 =	sadd.s32 $0xFFFFFEF7, lr;
	s5 =	simm.s32 $0xFFFFFFFF;
	p2 =	slt.u32 s8, $0xFFFFF086  }
0x1c: {  	p1 =	slt.u32 s9, $0xF7A;
	s5 =	simm.s32 @!p2 $0x0  }
0x1d: {  	s5 =	simm.s32 @p1 $0x1;
	p0 =	seq.s32 s7, s2  }
0x1e: {  	s7 =	smul.u32 @!p0 $0xF7A, s2;
	p2 =	seq.s32 @!p0 s5, $0x0  }
0x1f: {  	s9 =	smul.u32 $0xF7A, s1;
	s8 =	simm.s32 @!p0 $0x1BF5;
	p2 =	por !p2, p0  }
0x20: {  	[sflag:s8] =	ssyncset.s32 @!p0 $0xFFFFF086;
	s6 =	sadd.s32 @!p0 s3, s7;
	s7 =	simm.s32 @!p0 $0x108  }
0x21: {  	s3 =	sadd.s32 s3, s9;
	s6 =	sadd.s32 @!p0 $0x88, s6;
	s7 =	simm.s32 @p2 $0x1082  }
0x22: {  	[simem:s7], [sflag:s8] =	dma.local @!p0 [hbm:s6], $0xF7A  }
0x23: {  	s9 =	sor.u32 $0xD0000000, s2;
	s6 =	simm.s32 $0x108;
	_ =	swait.ge @!p0 [sflag:s8], $0x0  }
0x24: {  	s3 =	sadd.s32 $0x88, s3;
	s6 =	simm.s32 @!p1 $0x1082;
	[sflag:s4] =	ssyncset.s32 $0xFFFFF086  }
0x25: {  	[simem:s6], [sflag:s4] =	dma.local [hbm:s3], $0xF7A  }
0x26: {  	[smem:$0x3F9F] =	sst s1;
	(tag) =	ssettag s2;
	_ =	strace s9  }
0x27: {  	s1 =	sld [smem:$0x3FAF]  }
0x28: {  	s2 =	sld [smem:$0x3FB0]  }
0x29: {  	s4 =	sld [smem:$0x3FB2]  }
0x2a: {  	p0 =	seq.s32 s5, $0x0;
	s5 =	sld [smem:$0x3FB3]  }
0x2b: {  	s6 =	sld [smem:$0x3FB4]  }
0x2c: {  	s7 =	sld [smem:$0x3FB5]  }
0x2d: {  	s3 =	simm.s32 $0x108;
	s8 =	sld [smem:$0x3FB6]  }
0x2e: {  	s3 =	simm.s32 @!p0 $0x1082;
	s9 =	sld [smem:$0x3FB7]  }
0x2f: {  	lr =	sadd.s32 s0, s3;
	s0 =	sld [smem:$0x3FAE]  }
0x30: {  	s3 =	sld [smem:$0x3FB1]  }
0x31: {  	[smem:$0x3FBA] =	sst s10  }
0x32: {  	s10 =	sld [smem:$0x3FB8];
	_ =	sdelay $0x3  }
0x33: {  	p0 =	seq.s32 s10, $0x1;
	s10 =	sld [smem:$0x3FBA];
	_ =	sdelay $0x3  }
0x34: {  	[smem:$0x3FBA] =	sst s10  }
0x35: {  	s10 =	sld [smem:$0x3FB9];
	_ =	sdelay $0x3  }
0x36: {  	p1 =	seq.s32 s10, $0x1;
	s10 =	sld [smem:$0x3FBA];
	_ =	sdelay $0x3  }
0x37: {  	[smem:$0x3FBA] =	sst s10  }
0x38: {  	s10 =	sld [smem:$0x3FBB]  }
0x39: {  	_ = 	snop;
	(pc) =	sbr.ind lr, $3  }
0x3a: {  	_ = 	snop  }
0x3b: {  	_ = 	snop  }
0x3c: {  	p2 =	seq.s32 s10, $0x1;
	s10 =	sld [smem:$0x3FBA]  }
0x3d: {  	_ =	shalt  }
0x3e: {  	_ =	shalt  }
0x3f: {  	_ =	shalt  }
0x40: {  	_ =	shalt  }
0x41: {  	_ =	shalt  }
0x42: {  	_ =	shalt  }
0x43: {  	_ =	shalt  }
0x44: {  	_ =	shalt  }
0x45: {  	_ =	shalt  }
0x46: {  	_ =	shalt  }
0x47: {  	_ =	shalt  }
0x48: {  	_ =	shalt  }
0x49: {  	_ =	shalt  }
0x4a: {  	_ =	shalt  }
0x4b: {  	_ =	shalt  }
0x4c: {  	_ =	shalt  }
0x4d: {  	_ =	shalt  }
0x4e: {  	_ =	shalt  }
0x4f: {  	_ =	shalt  }
0x50: {  	_ =	shalt  }
0x51: {  	_ =	shalt  }
0x52: {  	_ =	shalt  }
0x53: {  	_ =	shalt  }
0x54: {  	_ =	shalt  }
0x55: {  	_ =	shalt  }
0x56: {  	_ =	shalt  }
0x57: {  	_ =	shalt  }
0x58: {  	_ =	shalt  }
0x59: {  	_ =	shalt  }
0x5a: {  	_ =	shalt  }
0x5b: {  	_ =	shalt  }
0x5c: {  	_ =	shalt  }
0x5d: {  	_ =	shalt  }
0x5e: {  	_ =	shalt  }
0x5f: {  	_ =	shalt  }
0x60: {  	_ =	shalt  }
0x61: {  	_ =	shalt  }
0x62: {  	_ =	shalt  }
0x63: {  	_ =	shalt  }
0x64: {  	_ =	shalt  }
0x65: {  	_ =	shalt  }
0x66: {  	_ =	shalt  }
0x67: {  	_ =	shalt  }
0x68: {  	_ =	shalt  }
0x69: {  	_ =	shalt  }
0x6a: {  	_ =	shalt  }
0x6b: {  	_ =	shalt  }
0x6c: {  	_ =	shalt  }
0x6d: {  	_ =	shalt  }
0x6e: {  	_ =	shalt  }
0x6f: {  	_ =	shalt  }
0x70: {  	_ =	shalt  }
0x71: {  	_ =	shalt  }
0x72: {  	_ =	shalt  }
0x73: {  	_ =	shalt  }
0x74: {  	_ =	shalt  }
0x75: {  	_ =	shalt  }
0x76: {  	_ =	shalt  }
0x77: {  	_ =	shalt  }
0x78: {  	_ =	shalt  }
0x79: {  	_ =	shalt  }
0x7a: {  	_ =	shalt  }
0x7b: {  	_ =	shalt  }
0x7c: {  	_ =	shalt  }
0x7d: {  	_ =	shalt  }
0x7e: {  	_ =	shalt  }
0x7f: {  	_ =	shalt  }
0x80: {  	_ =	shalt  }
0x81: {  	_ =	shalt  }
0x82: {  	_ =	shalt  }
0x83: {  	_ =	shalt  }
0x84: {  	_ =	shalt  }
0x85: {  	_ =	shalt  }
0x86: {  	_ =	shalt  }
0x87: {  	_ =	shalt  }
.Lfunc_end0:
.L_simem_size_0:
called_computation.1_lowered:
.L_overlay_start_0:
0x88: {  	s2 =	sld [smem:$0x3FD9]  }
0x89: {  	s3 =	sld [smem:$0x3FFE];
	_ =	sdelay $0x1  }
0x8a: {  	s1 =	srdreg.scid  }
0x8b: {  	s0 =	sand.u32 $0x1, s1  }
0x8c: {  	s16 =	sshll.u32 s0, $0xA;
	s2 =	sadd.s32 s3, s2  }
0x8d: {  	s2 =	sadd.s32 s2, s16  }
0x8e: {  	[smem:$0x3FC6] =	sst s2  }
0x8f: {  	_ = 	snop  }
0x90: {  	(tm) =	ssettm $0x1  }
0x91: {  	s17 =	sld [smem:$0x3FFB];
	_ =	sdelay $0x3  }
0x92: {  	_ =	strace s17  }
0x93: {  	s2 =	sld [smem:$0x3FFC];
	_ =	sdelay $0x3  }
0x94: {  	_ =	strace s2  }
0x95: {  	s2 =	sld [smem:$0x3FFD];
	_ =	sdelay $0x3  }
0x96: {  	_ =	strace s2  }
0x97: {  	_ =	strace $0x8FFFFFFF  }
0x98: {  	s18 =	sld [smem:$0x3FDB];
	_ =	sdelay $0x1  }
0x99: {  	s19 =	simm.s32 $_scs_section_size  }
0x9a: {  	s4 =	simm.s32 $_size__tile_overlayer_lowered;
	s5 =	simm.s32 $_tile_overlayer_lowered  }
0x9b: {  	s22 =	simm.s32 $0x1BFF;
	s21 =	sshll.u32 s5, $0x1;
	s2 =	sadd.s32 s19, s18  }
0x9c: {  	s6 =	simm.s32 $0x0;
	s20 =	sshll.u32 s4, $0x1;
	s4 =	sadd.s32 s21, s2  }
0x9d: {  	[timem:s6], [sflag:s22] =	dma.local [hbm:s4], s20  }
0x9e: {  	_ =	swait.ge [sflag:s22], s20  }
0x9f: {  	s3 =	ssub.s32 $0x0, s20;
	[sflag:s22] =	ssyncset.done $0x0  }
0xa0: {  	[sflag:s22] =	ssyncadd.s32 s3;
	_ =	sdelay $0x1  }
0xa1: {  	s23 =	simm.s32 $0x1B8B  }
0xa2: {  	_ =	swait.ge [sflag:s23], $0x1  }
0xa3: {  	[sflag:s23] =	ssyncset.done $0x0  }
0xa4: {  	s25 =	simm.s32 $0x1B8E;
	s24 =	sld [smem:$0x3FFE];
	[sflag:s23] =	ssyncadd.s32 $0xFFFFFFFF  }
0xa5: {  	s26 =	simm.s32 $execute0_lowered;
	[smem:$0x3FD2] =	sst s25  }
0xa6: {  	s4 =	sshll.u32 s26, $0x1;
	_ =	strace $0x80000049;
	[dreg:$0x1] =	wrdreg $0xFFFFFFFF  }
0xa7: {  	s28 =	simm.s32 $_size_execute0_lowered;
	s2 =	sadd.s32 s2, s4;
	[dreg:$0x0] =	wrdreg $0x0  }
0xa8: {  	s4 =	sshll.u32 s28, $0x1;
	[dreg:$0x2] =	wrdreg s2  }
0xa9: {  	[dreg:$0x3] =	wrdreg s4  }
0xaa: {  	[dreg:$0x4] =	wrdreg $0xC0  }
0xab: {  	_ =	task [dreg:s6], $0x5FFFF  }
0xac: {  	[dreg:$0x1] =	wrdreg $0xFFFFFFFF  }
0xad: {  	[dreg:$0x0] =	wrdreg $0x60  }
0xae: {  	[dreg:$0x2] =	wrdreg s24  }
0xaf: {  	[dreg:$0x3] =	wrdreg $0x9  }
0xb0: {  	_ =	task.clear_ibuf [dreg:s6], $0x4FFFF;
	_ =	strace $0x90000049  }
0xb1: {  	s29 =	simm.s32 $0x9;
	_ =	strace $0x8000004B  }
0xb2: {  	_ =	swait.ge [sflag:s29], $0x1  }
0xb3: {  	[sflag:s29] =	ssyncadd.s32 $0xFFFFFFFF  }
0xb4: {  	_ =	strace $0x9000004B  }
0xb5: {  	_ =	sfence  }
0xb6: {  	s30 =	sld [smem:$0x0];
	_ =	sdelay $0x2  }
0xb7: {  	s31 =	sshll.u32 s1, $0xD;
	s1 =	sshrl.u32 s1, $0x2  }
0xb8: {  	s3 =	sand.u32 $0x4000, s31;
	s1 =	sadd.s32 s1, s30  }
0xb9: {  	s0 =	sor.u32 s3, s0;
	s1 =	sshll.u32 s1, $0x11  }
0xba: {  	s0 =	sor.u32 s1, s0  }
0xbb: {  	s0 =	sadd.s32 $0x8F2B, s0  }
0xbc: {  	[sflag:s0] =	ssyncadd.remote.s32 $0x1  }
0xbd: {  	_ =	sfence.sel $0xFFFF  }
0xbe: {  	[dreg:$0x0] =	wrdreg $0xFFFFFFFF;
	(pc) =	sbr.abs _section_cstart, $3  }
0xbf: {  	[dreg:$0x1] =	wrdreg $0xFFFFFFFF  }
0xc0: {  	_ =	task.clear_ibuf [dreg:s6], $0x2FFFF;
	_ =	strace $0x9FFFFFFF  }
0xc1: {  	(tm) =	ssettm $0x7FFFFFFF  }
tec
execute0_lowered:
.L_overlay_start_1:
0x0: {  	(tag) =	ssettag $0x1  }
0x1: {  	s0 =	srdreg.scid;
	s2 =	stileid.u32  }
0x2: {  	s5 =	rddreg [dreg:$0x0];
	s31 =	simm.s32 $0x1;
	s9 =	simm.s32 $0x3F8  }
0x3: {  	s11 =	simm.s32 $0x3F80;
	s14 =	simm.s32 $0x7F00;
	s29 =	simm.s32 $0x7F0  }
0x4: {  	s6 =	simm.s32 $0xBE80;
	s30 =	simm.s32 $0xBE8;
	s12 =	simm.s32 $0xFE00  }
0x5: {  	s7 =	simm.s32 $0x3;
	s28 =	simm.s32 $0x13D8;
	s8 =	simm.s32 $0x4  }
0x6: {  	p0 =	por $0x0, $0x0;
	s20 =	simm.s32 $0x27B0;
	s18 =	simm.s32 $0x2FA0  }
0x7: {  	s19 =	simm.s32 $0x3398;
	s16 =	simm.s32 $0x3790;
	s17 =	simm.s32 $0x3B88  }
0x8: {  	s0 =	sand.u32 $0x1, s0;
	s1 =	sshll.u32 s2, $0x1;
	s2 =	sshrl.u32 s2, $0x2  }
0x9: {  	s1 =	sor.u32 s0, s1;
	s4 =	smul.u32 $0x1FC000, s2;
	s2 =	simm.s32 $0x0  }
0xa: {  	s0 =	ssub.s32 $0x2, s0;
	s3 =	sand.u32 $0x7, s1;
	s1 =	smul.u32 $0x7F0, s1  }
0xb: {  	[smem:$0x7FF] =	sst s2;
	s24 =	sshrl.u32 s0, $0x1;
	s3 =	smul.u32 $0x3F800, s3  }
0xc: {  	_ =	strace $0x8000004A;
	s0 =	ssub.s32 s0, s24;
	s24 =	simm.s32 $0x17D0  }
0xd: {  	s1 =	sadd.s32 s1, s5;
	s0 =	smax.u32 s0, $0x1;
	s3 =	sadd.s32 s4, s3  }
0xe: {  	s1 =	sadd.s32 $0x800, s1;
	p1 =	sne.s32 s0, $0x1;
	s3 =	sshrl.u32 s3, $0x3  }
0xf: {  	[dreg:$0x2] =	wrdreg s1;
	s1 =	sadd.s32 $0xFFFFFFFF, s0;
	s21 =	sadd.s32 s3, s5  }
0x10: {  	s3 =	sadd.s32 $0x10600, s5;
	s5 =	simm.s32 $0x2;
	s22 =	sadd.s32 $0x26AE00, s21  }
0x11: {  	s0 =	rddreg [dreg:$0x2];
	s23 =	sadd.s32 $0x26BDE0, s21;
	s25 =	sadd.s32 $0x26CDC0, s21  }
.Ltmp0:
0x12: {  	s26 =	sadd.s32 $0x26DDA0, s21;
	[dreg:$0x3] =	wrdreg s22;
	(pc) =	sbr.rel @!p1 .LBB2_3-.Ltmp0, $4  }
0x13: {  	s15 =	sadd.s32 $0x26ED80, s21;
	s13 =	sadd.s32 $0x26FD60, s21;
	[dreg:$0x4] =	wrdreg s23  }
0x14: {  	s10 =	sadd.s32 $0x270D40, s21;
	s4 =	sadd.s32 $0x271D20, s21;
	[dreg:$0x5] =	wrdreg s25  }
0x15: {  	s21 =	simm.s32 $0x2BA8;
	[dreg:$0x6] =	wrdreg s26;
	s26 =	simm.s32 $0xFE0  }
0x16: {  	s25 =	simm.s32 $0x1BC8;
	s22 =	simm.s32 $0x1FC0;
	s23 =	simm.s32 $0x23B8  }
0x17: {  	[tilespmem:s2], [sflag:$0x1] =	stream.linear.gather [hbm4b:s0+s2], $0x3F80, $0x38;
	[tilespmem:$0x13D80] =	vst v63  }
0x18: {  	_ =	swait.ge [sflag:s31], $0x3F80  }
0x19: {  	[sflag:s31] =	ssyncset.done $0x0  }
0x1a: {  	[sflag:s31] =	ssyncadd.s32 $0xFFFFC080  }
0x1b: {  	[tilespmem:s11], [sflag:$0x2] =	stream.indirect.gather [hbm4b:s3+s9], $0x10, s2, s9, $0xb8;
	[tilespmem:$0x13D80] =	vst v63  }
0x1c: {  	_ = 	snop  }
0x1d: {  	[tilespmem:s14], [sflag:$0x2] =	stream.indirect.gather [hbm4b:s3+s9], $0x10, s9, s9, $0xb8;
	[tilespmem:$0x13D80] =	vst v63  }
0x1e: {  	_ =	swait.ge [sflag:s5], $0x3F80  }
0x1f: {  	[sflag:s5] =	ssyncset.done $0x0  }
0x20: {  	[sflag:s5] =	ssyncadd.s32 $0xFFFFC080  }
0x21: {  	_ =	swait.ge [sflag:s5], $0x3F80  }
0x22: {  	[sflag:s5] =	ssyncset.done $0x0  }
0x23: {  	s0 =	rddreg [dreg:$0x3];
	[sflag:s5] =	ssyncadd.s32 $0xFFFFC080  }
0x24: {  	[hbm4b:s0+s2] =	stream.linear.scatter [tilespmem:s11], [sflag:$0x3], $0x7F00, $0x38;
	[tilespmem:$0x13D80] =	vst v63  }
0x25: {  	_ = 	snop  }
0x26: {  	[tilespmem:s6], [sflag:$0x2] =	stream.indirect.gather [hbm4b:s3+s9], $0x10, s29, s9, $0xb8;
	[tilespmem:$0x13D80] =	vst v63  }
0x27: {  	_ = 	snop  }
0x28: {  	[tilespmem:s12], [sflag:$0x2] =	stream.indirect.gather [hbm4b:s3+s9], $0x10, s30, s9, $0xb8;
	[tilespmem:$0x13D80] =	vst v63  }
0x29: {  	_ =	swait.ge [sflag:s5], $0x3F80  }
0x2a: {  	[sflag:s5] =	ssyncset.done $0x0  }
0x2b: {  	[sflag:s5] =	ssyncadd.s32 $0xFFFFC080  }
0x2c: {  	_ =	swait.ge [sflag:s5], $0x3F80  }
0x2d: {  	[sflag:s5] =	ssyncset.done $0x0  }
0x2e: {  	s0 =	rddreg [dreg:$0x4];
	[sflag:s5] =	ssyncadd.s32 $0xFFFFC080  }
0x2f: {  	[hbm4b:s0+s2] =	stream.linear.scatter [tilespmem:s6], [sflag:$0x4], $0x7F00, $0x38;
	[tilespmem:$0x13D80] =	vst v63  }
0x30: {  	_ =	swait.ge [sflag:s7], $0x7F00  }
0x31: {  	[sflag:s7] =	ssyncset.done $0x0  }
0x32: {  	[sflag:s7] =	ssyncadd.s32 $0xFFFF8100  }
0x33: {  	[tilespmem:s11], [sflag:$0x2] =	stream.indirect.gather [hbm4b:s3+s9], $0x10, s26, s9, $0xb8;
	[tilespmem:$0x13D80] =	vst v63  }
0x34: {  	_ = 	snop  }
0x35: {  	[tilespmem:s14], [sflag:$0x2] =	stream.indirect.gather [hbm4b:s3+s9], $0x10, s28, s9, $0xb8;
	[tilespmem:$0x13D80] =	vst v63  }
0x36: {  	_ =	swait.ge [sflag:s5], $0x3F80  }
0x37: {  	[sflag:s5] =	ssyncset.done $0x0  }
0x38: {  	[sflag:s5] =	ssyncadd.s32 $0xFFFFC080  }
0x39: {  	_ =	swait.ge [sflag:s5], $0x3F80  }
0x3a: {  	[sflag:s5] =	ssyncset.done $0x0  }
0x3b: {  	s0 =	rddreg [dreg:$0x5];
	[sflag:s5] =	ssyncadd.s32 $0xFFFFC080  }
0x3c: {  	[hbm4b:s0+s2] =	stream.linear.scatter [tilespmem:s11], [sflag:$0x3], $0x7F00, $0x38;
	[tilespmem:$0x13D80] =	vst v63  }
0x3d: {  	_ =	swait.ge [sflag:s8], $0x7F00  }
0x3e: {  	[sflag:s8] =	ssyncset.done $0x0  }
0x3f: {  	[sflag:s8] =	ssyncadd.s32 $0xFFFF8100  }
0x40: {  	[tilespmem:s6], [sflag:$0x2] =	stream.indirect.gather [hbm4b:s3+s9], $0x10, s24, s9, $0xb8;
	[tilespmem:$0x13D80] =	vst v63  }
0x41: {  	_ = 	snop  }
0x42: {  	[tilespmem:s12], [sflag:$0x2] =	stream.indirect.gather [hbm4b:s3+s9], $0x10, s25, s9, $0xb8;
	[tilespmem:$0x13D80] =	vst v63  }
0x43: {  	_ =	swait.ge [sflag:s5], $0x3F80  }
0x44: {  	[sflag:s5] =	ssyncset.done $0x0  }
0x45: {  	[sflag:s5] =	ssyncadd.s32 $0xFFFFC080  }
0x46: {  	_ =	swait.ge [sflag:s5], $0x3F80  }
0x47: {  	[sflag:s5] =	ssyncset.done $0x0  }
0x48: {  	s0 =	rddreg [dreg:$0x6];
	[sflag:s5] =	ssyncadd.s32 $0xFFFFC080  }
0x49: {  	[hbm4b:s0+s2] =	stream.linear.scatter [tilespmem:s6], [sflag:$0x4], $0x7F00, $0x38;
	[tilespmem:$0x13D80] =	vst v63  }
0x4a: {  	_ =	swait.ge [sflag:s7], $0x7F00  }
0x4b: {  	[sflag:s7] =	ssyncset.done $0x0  }
0x4c: {  	[sflag:s7] =	ssyncadd.s32 $0xFFFF8100  }
0x4d: {  	[tilespmem:s11], [sflag:$0x2] =	stream.indirect.gather [hbm4b:s3+s9], $0x10, s22, s9, $0xb8;
	[tilespmem:$0x13D80] =	vst v63  }
0x4e: {  	_ = 	snop  }
0x4f: {  	[tilespmem:s14], [sflag:$0x2] =	stream.indirect.gather [hbm4b:s3+s9], $0x10, s23, s9, $0xb8;
	[tilespmem:$0x13D80] =	vst v63  }
0x50: {  	_ =	swait.ge [sflag:s5], $0x3F80  }
0x51: {  	[sflag:s5] =	ssyncset.done $0x0  }
0x52: {  	[sflag:s5] =	ssyncadd.s32 $0xFFFFC080  }
0x53: {  	_ =	swait.ge [sflag:s5], $0x3F80  }
0x54: {  	[sflag:s5] =	ssyncset.done $0x0  }
0x55: {  	[sflag:s5] =	ssyncadd.s32 $0xFFFFC080  }
0x56: {  	[hbm4b:s15+s2] =	stream.linear.scatter [tilespmem:s11], [sflag:$0x3], $0x7F00, $0x38;
	[tilespmem:$0x13D80] =	vst v63  }
0x57: {  	_ =	swait.ge [sflag:s8], $0x7F00  }
0x58: {  	[sflag:s8] =	ssyncset.done $0x0  }
0x59: {  	[sflag:s8] =	ssyncadd.s32 $0xFFFF8100  }
0x5a: {  	[tilespmem:s6], [sflag:$0x2] =	stream.indirect.gather [hbm4b:s3+s9], $0x10, s20, s9, $0xb8;
	[tilespmem:$0x13D80] =	vst v63  }
0x5b: {  	_ = 	snop  }
0x5c: {  	[tilespmem:s12], [sflag:$0x2] =	stream.indirect.gather [hbm4b:s3+s9], $0x10, s21, s9, $0xb8;
	[tilespmem:$0x13D80] =	vst v63  }
0x5d: {  	_ =	swait.ge [sflag:s5], $0x3F80  }
0x5e: {  	[sflag:s5] =	ssyncset.done $0x0  }
0x5f: {  	[sflag:s5] =	ssyncadd.s32 $0xFFFFC080  }
0x60: {  	_ =	swait.ge [sflag:s5], $0x3F80  }
0x61: {  	[sflag:s5] =	ssyncset.done $0x0  }
0x62: {  	[sflag:s5] =	ssyncadd.s32 $0xFFFFC080  }
0x63: {  	[hbm4b:s13+s2] =	stream.linear.scatter [tilespmem:s6], [sflag:$0x4], $0x7F00, $0x38;
	[tilespmem:$0x13D80] =	vst v63  }
0x64: {  	_ =	swait.ge [sflag:s7], $0x7F00  }
0x65: {  	[sflag:s7] =	ssyncset.done $0x0  }
0x66: {  	[sflag:s7] =	ssyncadd.s32 $0xFFFF8100  }
0x67: {  	[tilespmem:s11], [sflag:$0x2] =	stream.indirect.gather [hbm4b:s3+s9], $0x10, s18, s9, $0xb8;
	[tilespmem:$0x13D80] =	vst v63  }
0x68: {  	_ = 	snop  }
0x69: {  	[tilespmem:s14], [sflag:$0x2] =	stream.indirect.gather [hbm4b:s3+s9], $0x10, s19, s9, $0xb8;
	[tilespmem:$0x13D80] =	vst v63  }
0x6a: {  	_ =	swait.ge [sflag:s5], $0x3F80  }
0x6b: {  	[sflag:s5] =	ssyncset.done $0x0  }
0x6c: {  	[sflag:s5] =	ssyncadd.s32 $0xFFFFC080  }
0x6d: {  	_ =	swait.ge [sflag:s5], $0x3F80  }
0x6e: {  	[sflag:s5] =	ssyncset.done $0x0  }
0x6f: {  	[sflag:s5] =	ssyncadd.s32 $0xFFFFC080  }
0x70: {  	[hbm4b:s10+s2] =	stream.linear.scatter [tilespmem:s11], [sflag:$0x3], $0x7F00, $0x38;
	[tilespmem:$0x13D80] =	vst v63  }
0x71: {  	_ =	swait.ge [sflag:s8], $0x7F00  }
0x72: {  	[sflag:s8] =	ssyncset.done $0x0  }
0x73: {  	[sflag:s8] =	ssyncadd.s32 $0xFFFF8100  }
0x74: {  	[tilespmem:s6], [sflag:$0x2] =	stream.indirect.gather [hbm4b:s3+s9], $0x10, s16, s9, $0xb8;
	[tilespmem:$0x13D80] =	vst v63  }
0x75: {  	_ = 	snop  }
0x76: {  	[tilespmem:s12], [sflag:$0x2] =	stream.indirect.gather [hbm4b:s3+s9], $0x10, s17, s9, $0xb8;
	[tilespmem:$0x13D80] =	vst v63  }
0x77: {  	_ =	swait.ge [sflag:s5], $0x3F80  }
0x78: {  	[sflag:s5] =	ssyncset.done $0x0  }
0x79: {  	[sflag:s5] =	ssyncadd.s32 $0xFFFFC080  }
0x7a: {  	_ =	swait.ge [sflag:s5], $0x3F80  }
0x7b: {  	[sflag:s5] =	ssyncset.done $0x0  }
0x7c: {  	p1 =	sne.s32 s1, $0x1;
	[sflag:s5] =	ssyncadd.s32 $0xFFFFC080  }
0x7d: {  	[hbm4b:s4+s2] =	stream.linear.scatter [tilespmem:s6], [sflag:$0x4], $0x7F00, $0x38;
	[tilespmem:$0x13D80] =	vst v63  }
.Ltmp1:
0x7e: {  	_ =	swait.ge [sflag:s7], $0x7F00;
	(pc) =	sbr.rel @!p1 .LBB2_3-.Ltmp1, $4  }
0x7f: {  	[sflag:s7] =	ssyncset.done $0x0  }
0x80: {  	[sflag:s7] =	ssyncadd.s32 $0xFFFF8100  }
0x81: {  	s1 =	sadd.s32 $0xFFFFFFFF, s1;
	_ =	swait.ge [sflag:s8], $0x7F00  }
0x82: {  	p0 =	por $0x1, $0x1;
	s0 =	rddreg [dreg:$0x2];
	[sflag:s8] =	ssyncset.done $0x0  }
.LBB2_2:
0x83: {  	[sflag:s8] =	ssyncadd.s32 $0xFFFF8100  }
0x84: {  	[tilespmem:s2], [sflag:$0x1] =	stream.linear.gather [hbm4b:s0+s2], $0x3F80, $0x38;
	[tilespmem:$0x13D80] =	vst v63  }
0x85: {  	_ =	swait.ge [sflag:s31], $0x3F80  }
0x86: {  	[sflag:s31] =	ssyncset.done $0x0  }
0x87: {  	[sflag:s31] =	ssyncadd.s32 $0xFFFFC080  }
0x88: {  	[tilespmem:s11], [sflag:$0x2] =	stream.indirect.gather [hbm4b:s3+s9], $0x10, s2, s9, $0xb8;
	[tilespmem:$0x13D80] =	vst v63  }
0x89: {  	_ = 	snop  }
0x8a: {  	[tilespmem:s14], [sflag:$0x2] =	stream.indirect.gather [hbm4b:s3+s9], $0x10, s9, s9, $0xb8;
	[tilespmem:$0x13D80] =	vst v63  }
0x8b: {  	_ =	swait.ge [sflag:s5], $0x3F80  }
0x8c: {  	[sflag:s5] =	ssyncset.done $0x0  }
0x8d: {  	[sflag:s5] =	ssyncadd.s32 $0xFFFFC080  }
0x8e: {  	_ =	swait.ge [sflag:s5], $0x3F80  }
0x8f: {  	[sflag:s5] =	ssyncset.done $0x0  }
0x90: {  	s0 =	rddreg [dreg:$0x3];
	[sflag:s5] =	ssyncadd.s32 $0xFFFFC080  }
0x91: {  	[hbm4b:s0+s2] =	stream.linear.scatter [tilespmem:s11], [sflag:$0x3], $0x7F00, $0x38;
	[tilespmem:$0x13D80] =	vst v63  }
0x92: {  	_ = 	snop  }
0x93: {  	[tilespmem:s6], [sflag:$0x2] =	stream.indirect.gather [hbm4b:s3+s9], $0x10, s29, s9, $0xb8;
	[tilespmem:$0x13D80] =	vst v63  }
0x94: {  	_ = 	snop  }
0x95: {  	[tilespmem:s12], [sflag:$0x2] =	stream.indirect.gather [hbm4b:s3+s9], $0x10, s30, s9, $0xb8;
	[tilespmem:$0x13D80] =	vst v63  }
0x96: {  	_ =	swait.ge [sflag:s5], $0x3F80  }
0x97: {  	[sflag:s5] =	ssyncset.done $0x0  }
0x98: {  	[sflag:s5] =	ssyncadd.s32 $0xFFFFC080  }
0x99: {  	_ =	swait.ge [sflag:s5], $0x3F80  }
0x9a: {  	[sflag:s5] =	ssyncset.done $0x0  }
0x9b: {  	s0 =	rddreg [dreg:$0x4];
	[sflag:s5] =	ssyncadd.s32 $0xFFFFC080  }
0x9c: {  	[hbm4b:s0+s2] =	stream.linear.scatter [tilespmem:s6], [sflag:$0x4], $0x7F00, $0x38;
	[tilespmem:$0x13D80] =	vst v63  }
0x9d: {  	_ =	swait.ge [sflag:s7], $0x7F00  }
0x9e: {  	[sflag:s7] =	ssyncset.done $0x0  }
0x9f: {  	[sflag:s7] =	ssyncadd.s32 $0xFFFF8100  }
0xa0: {  	[tilespmem:s11], [sflag:$0x2] =	stream.indirect.gather [hbm4b:s3+s9], $0x10, s26, s9, $0xb8;
	[tilespmem:$0x13D80] =	vst v63  }
0xa1: {  	_ = 	snop  }
0xa2: {  	[tilespmem:s14], [sflag:$0x2] =	stream.indirect.gather [hbm4b:s3+s9], $0x10, s28, s9, $0xb8;
	[tilespmem:$0x13D80] =	vst v63  }
0xa3: {  	_ =	swait.ge [sflag:s5], $0x3F80  }
0xa4: {  	[sflag:s5] =	ssyncset.done $0x0  }
0xa5: {  	[sflag:s5] =	ssyncadd.s32 $0xFFFFC080  }
0xa6: {  	_ =	swait.ge [sflag:s5], $0x3F80  }
0xa7: {  	[sflag:s5] =	ssyncset.done $0x0  }
0xa8: {  	s0 =	rddreg [dreg:$0x5];
	[sflag:s5] =	ssyncadd.s32 $0xFFFFC080  }
0xa9: {  	[hbm4b:s0+s2] =	stream.linear.scatter [tilespmem:s11], [sflag:$0x3], $0x7F00, $0x38;
	[tilespmem:$0x13D80] =	vst v63  }
0xaa: {  	_ =	swait.ge [sflag:s8], $0x7F00  }
0xab: {  	[sflag:s8] =	ssyncset.done $0x0  }
0xac: {  	[sflag:s8] =	ssyncadd.s32 $0xFFFF8100  }
0xad: {  	[tilespmem:s6], [sflag:$0x2] =	stream.indirect.gather [hbm4b:s3+s9], $0x10, s24, s9, $0xb8;
	[tilespmem:$0x13D80] =	vst v63  }
0xae: {  	_ = 	snop  }
0xaf: {  	[tilespmem:s12], [sflag:$0x2] =	stream.indirect.gather [hbm4b:s3+s9], $0x10, s25, s9, $0xb8;
	[tilespmem:$0x13D80] =	vst v63  }
0xb0: {  	_ =	swait.ge [sflag:s5], $0x3F80  }
0xb1: {  	[sflag:s5] =	ssyncset.done $0x0  }
0xb2: {  	[sflag:s5] =	ssyncadd.s32 $0xFFFFC080  }
0xb3: {  	_ =	swait.ge [sflag:s5], $0x3F80  }
0xb4: {  	[sflag:s5] =	ssyncset.done $0x0  }
0xb5: {  	s0 =	rddreg [dreg:$0x6];
	[sflag:s5] =	ssyncadd.s32 $0xFFFFC080  }
0xb6: {  	[hbm4b:s0+s2] =	stream.linear.scatter [tilespmem:s6], [sflag:$0x4], $0x7F00, $0x38;
	[tilespmem:$0x13D80] =	vst v63  }
0xb7: {  	_ =	swait.ge [sflag:s7], $0x7F00  }
0xb8: {  	[sflag:s7] =	ssyncset.done $0x0  }
0xb9: {  	[sflag:s7] =	ssyncadd.s32 $0xFFFF8100  }
0xba: {  	[tilespmem:s11], [sflag:$0x2] =	stream.indirect.gather [hbm4b:s3+s9], $0x10, s22, s9, $0xb8;
	[tilespmem:$0x13D80] =	vst v63  }
0xbb: {  	_ = 	snop  }
0xbc: {  	[tilespmem:s14], [sflag:$0x2] =	stream.indirect.gather [hbm4b:s3+s9], $0x10, s23, s9, $0xb8;
	[tilespmem:$0x13D80] =	vst v63  }
0xbd: {  	_ =	swait.ge [sflag:s5], $0x3F80  }
0xbe: {  	[sflag:s5] =	ssyncset.done $0x0  }
0xbf: {  	[sflag:s5] =	ssyncadd.s32 $0xFFFFC080  }
0xc0: {  	_ =	swait.ge [sflag:s5], $0x3F80  }
0xc1: {  	[sflag:s5] =	ssyncset.done $0x0  }
0xc2: {  	[sflag:s5] =	ssyncadd.s32 $0xFFFFC080  }
0xc3: {  	[hbm4b:s15+s2] =	stream.linear.scatter [tilespmem:s11], [sflag:$0x3], $0x7F00, $0x38;
	[tilespmem:$0x13D80] =	vst v63  }
0xc4: {  	_ =	swait.ge [sflag:s8], $0x7F00  }
0xc5: {  	[sflag:s8] =	ssyncset.done $0x0  }
0xc6: {  	[sflag:s8] =	ssyncadd.s32 $0xFFFF8100  }
0xc7: {  	[tilespmem:s6], [sflag:$0x2] =	stream.indirect.gather [hbm4b:s3+s9], $0x10, s20, s9, $0xb8;
	[tilespmem:$0x13D80] =	vst v63  }
0xc8: {  	_ = 	snop  }
0xc9: {  	[tilespmem:s12], [sflag:$0x2] =	stream.indirect.gather [hbm4b:s3+s9], $0x10, s21, s9, $0xb8;
	[tilespmem:$0x13D80] =	vst v63  }
0xca: {  	_ =	swait.ge [sflag:s5], $0x3F80  }
0xcb: {  	[sflag:s5] =	ssyncset.done $0x0  }
0xcc: {  	[sflag:s5] =	ssyncadd.s32 $0xFFFFC080  }
0xcd: {  	_ =	swait.ge [sflag:s5], $0x3F80  }
0xce: {  	[sflag:s5] =	ssyncset.done $0x0  }
0xcf: {  	[sflag:s5] =	ssyncadd.s32 $0xFFFFC080  }
0xd0: {  	[hbm4b:s13+s2] =	stream.linear.scatter [tilespmem:s6], [sflag:$0x4], $0x7F00, $0x38;
	[tilespmem:$0x13D80] =	vst v63  }
0xd1: {  	_ =	swait.ge [sflag:s7], $0x7F00  }
0xd2: {  	[sflag:s7] =	ssyncset.done $0x0  }
0xd3: {  	[sflag:s7] =	ssyncadd.s32 $0xFFFF8100  }
0xd4: {  	[tilespmem:s11], [sflag:$0x2] =	stream.indirect.gather [hbm4b:s3+s9], $0x10, s18, s9, $0xb8;
	[tilespmem:$0x13D80] =	vst v63  }
0xd5: {  	_ = 	snop  }
0xd6: {  	[tilespmem:s14], [sflag:$0x2] =	stream.indirect.gather [hbm4b:s3+s9], $0x10, s19, s9, $0xb8;
	[tilespmem:$0x13D80] =	vst v63  }
0xd7: {  	_ =	swait.ge [sflag:s5], $0x3F80  }
0xd8: {  	[sflag:s5] =	ssyncset.done $0x0  }
0xd9: {  	[sflag:s5] =	ssyncadd.s32 $0xFFFFC080  }
0xda: {  	_ =	swait.ge [sflag:s5], $0x3F80  }
0xdb: {  	[sflag:s5] =	ssyncset.done $0x0  }
0xdc: {  	[sflag:s5] =	ssyncadd.s32 $0xFFFFC080  }
0xdd: {  	[hbm4b:s10+s2] =	stream.linear.scatter [tilespmem:s11], [sflag:$0x3], $0x7F00, $0x38;
	[tilespmem:$0x13D80] =	vst v63  }
0xde: {  	_ =	swait.ge [sflag:s8], $0x7F00  }
0xdf: {  	[sflag:s8] =	ssyncset.done $0x0  }
0xe0: {  	[sflag:s8] =	ssyncadd.s32 $0xFFFF8100  }
0xe1: {  	[tilespmem:s6], [sflag:$0x2] =	stream.indirect.gather [hbm4b:s3+s9], $0x10, s16, s9, $0xb8;
	[tilespmem:$0x13D80] =	vst v63  }
0xe2: {  	_ = 	snop  }
0xe3: {  	[tilespmem:s12], [sflag:$0x2] =	stream.indirect.gather [hbm4b:s3+s9], $0x10, s17, s9, $0xb8;
	[tilespmem:$0x13D80] =	vst v63  }
0xe4: {  	_ =	swait.ge [sflag:s5], $0x3F80  }
0xe5: {  	[sflag:s5] =	ssyncset.done $0x0  }
0xe6: {  	[sflag:s5] =	ssyncadd.s32 $0xFFFFC080  }
0xe7: {  	_ =	swait.ge [sflag:s5], $0x3F80  }
0xe8: {  	[sflag:s5] =	ssyncset.done $0x0  }
0xe9: {  	p1 =	sne.s32 s1, $0x1;
	[sflag:s5] =	ssyncadd.s32 $0xFFFFC080  }
0xea: {  	[hbm4b:s4+s2] =	stream.linear.scatter [tilespmem:s6], [sflag:$0x4], $0x7F00, $0x38;
	[tilespmem:$0x13D80] =	vst v63  }
.Ltmp2:
0xeb: {  	_ =	swait.ge [sflag:s7], $0x7F00;
	(pc) =	sbr.rel @p1 .LBB2_2-.Ltmp2, $4  }
0xec: {  	[sflag:s7] =	ssyncset.done $0x0  }
0xed: {  	[sflag:s7] =	ssyncadd.s32 $0xFFFF8100  }
0xee: {  	_ =	swait.ge [sflag:s8], $0x7F00  }
0xef: {  	s1 =	sadd.s32 $0xFFFFFFFF, s1;
	s0 =	rddreg [dreg:$0x2];
	[sflag:s8] =	ssyncset.done $0x0  }
.LBB2_3:
0xf0: {  	[sflag:s8] =	ssyncadd.s32 @p0 $0xFFFF8100  }
0xf1: {  	[tilespmem:s2], [sflag:$0x1] =	stream.linear.gather [hbm4b:s0+s2], $0x3F80, $0x38;
	[tilespmem:$0x13D80] =	vst v63  }
0xf2: {  	_ =	swait.ge [sflag:s31], $0x3F80  }
0xf3: {  	[sflag:s31] =	ssyncset.done $0x0  }
0xf4: {  	[sflag:s31] =	ssyncadd.s32 $0xFFFFC080  }
0xf5: {  	[tilespmem:s11], [sflag:$0x2] =	stream.indirect.gather [hbm4b:s3+s9], $0x10, s2, s9, $0xb8;
	[tilespmem:$0x13D80] =	vst v63  }
0xf6: {  	_ = 	snop  }
0xf7: {  	[tilespmem:s14], [sflag:$0x2] =	stream.indirect.gather [hbm4b:s3+s9], $0x10, s9, s9, $0xb8;
	[tilespmem:$0x13D80] =	vst v63  }
0xf8: {  	_ =	swait.ge [sflag:s5], $0x3F80  }
0xf9: {  	[sflag:s5] =	ssyncset.done $0x0  }
0xfa: {  	[sflag:s5] =	ssyncadd.s32 $0xFFFFC080  }
0xfb: {  	_ =	swait.ge [sflag:s5], $0x3F80  }
0xfc: {  	[sflag:s5] =	ssyncset.done $0x0  }
0xfd: {  	s31 =	rddreg [dreg:$0x3];
	[sflag:s5] =	ssyncadd.s32 $0xFFFFC080  }
0xfe: {  	[hbm4b:s31+s2] =	stream.linear.scatter [tilespmem:s11], [sflag:$0x3], $0x7F00, $0x38;
	[tilespmem:$0x13D80] =	vst v63  }
0xff: {  	_ = 	snop  }
0x100: {  	[tilespmem:s6], [sflag:$0x2] =	stream.indirect.gather [hbm4b:s3+s9], $0x10, s29, s9, $0xb8;
	[tilespmem:$0x13D80] =	vst v63  }
0x101: {  	_ = 	snop  }
0x102: {  	[tilespmem:s12], [sflag:$0x2] =	stream.indirect.gather [hbm4b:s3+s9], $0x10, s30, s9, $0xb8;
	[tilespmem:$0x13D80] =	vst v63  }
0x103: {  	_ =	swait.ge [sflag:s5], $0x3F80  }
0x104: {  	[sflag:s5] =	ssyncset.done $0x0  }
0x105: {  	[sflag:s5] =	ssyncadd.s32 $0xFFFFC080  }
0x106: {  	_ =	swait.ge [sflag:s5], $0x3F80  }
0x107: {  	[sflag:s5] =	ssyncset.done $0x0  }
0x108: {  	s1 =	rddreg [dreg:$0x4];
	[sflag:s5] =	ssyncadd.s32 $0xFFFFC080  }
0x109: {  	[hbm4b:s1+s2] =	stream.linear.scatter [tilespmem:s6], [sflag:$0x4], $0x7F00, $0x38;
	[tilespmem:$0x13D80] =	vst v63  }
0x10a: {  	_ =	swait.ge [sflag:s7], $0x7F00  }
0x10b: {  	[sflag:s7] =	ssyncset.done $0x0  }
0x10c: {  	[sflag:s7] =	ssyncadd.s32 $0xFFFF8100  }
0x10d: {  	[tilespmem:s11], [sflag:$0x2] =	stream.indirect.gather [hbm4b:s3+s9], $0x10, s26, s9, $0xb8;
	[tilespmem:$0x13D80] =	vst v63  }
0x10e: {  	_ = 	snop  }
0x10f: {  	[tilespmem:s14], [sflag:$0x2] =	stream.indirect.gather [hbm4b:s3+s9], $0x10, s28, s9, $0xb8;
	[tilespmem:$0x13D80] =	vst v63  }
0x110: {  	_ =	swait.ge [sflag:s5], $0x3F80  }
0x111: {  	[sflag:s5] =	ssyncset.done $0x0  }
0x112: {  	[sflag:s5] =	ssyncadd.s32 $0xFFFFC080  }
0x113: {  	_ =	swait.ge [sflag:s5], $0x3F80  }
0x114: {  	[sflag:s5] =	ssyncset.done $0x0  }
0x115: {  	s29 =	rddreg [dreg:$0x5];
	[sflag:s5] =	ssyncadd.s32 $0xFFFFC080  }
0x116: {  	[hbm4b:s29+s2] =	stream.linear.scatter [tilespmem:s11], [sflag:$0x3], $0x7F00, $0x38;
	[tilespmem:$0x13D80] =	vst v63  }
0x117: {  	_ =	swait.ge [sflag:s8], $0x7F00  }
0x118: {  	[sflag:s8] =	ssyncset.done $0x0  }
0x119: {  	[sflag:s8] =	ssyncadd.s32 $0xFFFF8100  }
0x11a: {  	[tilespmem:s6], [sflag:$0x2] =	stream.indirect.gather [hbm4b:s3+s9], $0x10, s24, s9, $0xb8;
	[tilespmem:$0x13D80] =	vst v63  }
0x11b: {  	_ = 	snop  }
0x11c: {  	[tilespmem:s12], [sflag:$0x2] =	stream.indirect.gather [hbm4b:s3+s9], $0x10, s25, s9, $0xb8;
	[tilespmem:$0x13D80] =	vst v63  }
0x11d: {  	_ =	swait.ge [sflag:s5], $0x3F80  }
0x11e: {  	[sflag:s5] =	ssyncset.done $0x0  }
0x11f: {  	[sflag:s5] =	ssyncadd.s32 $0xFFFFC080  }
0x120: {  	_ =	swait.ge [sflag:s5], $0x3F80  }
0x121: {  	[sflag:s5] =	ssyncset.done $0x0  }
0x122: {  	s30 =	rddreg [dreg:$0x6];
	[sflag:s5] =	ssyncadd.s32 $0xFFFFC080  }
0x123: {  	[hbm4b:s30+s2] =	stream.linear.scatter [tilespmem:s6], [sflag:$0x4], $0x7F00, $0x38;
	[tilespmem:$0x13D80] =	vst v63  }
0x124: {  	_ =	swait.ge [sflag:s7], $0x7F00  }
0x125: {  	[sflag:s7] =	ssyncset.done $0x0  }
0x126: {  	[sflag:s7] =	ssyncadd.s32 $0xFFFF8100  }
0x127: {  	[tilespmem:s11], [sflag:$0x2] =	stream.indirect.gather [hbm4b:s3+s9], $0x10, s22, s9, $0xb8;
	[tilespmem:$0x13D80] =	vst v63  }
0x128: {  	_ = 	snop  }
0x129: {  	[tilespmem:s14], [sflag:$0x2] =	stream.indirect.gather [hbm4b:s3+s9], $0x10, s23, s9, $0xb8;
	[tilespmem:$0x13D80] =	vst v63  }
0x12a: {  	_ =	swait.ge [sflag:s5], $0x3F80  }
0x12b: {  	[sflag:s5] =	ssyncset.done $0x0  }
0x12c: {  	[sflag:s5] =	ssyncadd.s32 $0xFFFFC080  }
0x12d: {  	_ =	swait.ge [sflag:s5], $0x3F80  }
0x12e: {  	[sflag:s5] =	ssyncset.done $0x0  }
0x12f: {  	[sflag:s5] =	ssyncadd.s32 $0xFFFFC080  }
0x130: {  	[hbm4b:s15+s2] =	stream.linear.scatter [tilespmem:s11], [sflag:$0x3], $0x7F00, $0x38;
	[tilespmem:$0x13D80] =	vst v63  }
0x131: {  	_ =	swait.ge [sflag:s8], $0x7F00  }
0x132: {  	[sflag:s8] =	ssyncset.done $0x0  }
0x133: {  	[sflag:s8] =	ssyncadd.s32 $0xFFFF8100  }
0x134: {  	[tilespmem:s6], [sflag:$0x2] =	stream.indirect.gather [hbm4b:s3+s9], $0x10, s20, s9, $0xb8;
	[tilespmem:$0x13D80] =	vst v63  }
0x135: {  	_ = 	snop  }
0x136: {  	[tilespmem:s12], [sflag:$0x2] =	stream.indirect.gather [hbm4b:s3+s9], $0x10, s21, s9, $0xb8;
	[tilespmem:$0x13D80] =	vst v63  }
0x137: {  	_ =	swait.ge [sflag:s5], $0x3F80  }
0x138: {  	[sflag:s5] =	ssyncset.done $0x0  }
0x139: {  	[sflag:s5] =	ssyncadd.s32 $0xFFFFC080  }
0x13a: {  	_ =	swait.ge [sflag:s5], $0x3F80  }
0x13b: {  	[sflag:s5] =	ssyncset.done $0x0  }
0x13c: {  	[sflag:s5] =	ssyncadd.s32 $0xFFFFC080  }
0x13d: {  	[hbm4b:s13+s2] =	stream.linear.scatter [tilespmem:s6], [sflag:$0x4], $0x7F00, $0x38;
	[tilespmem:$0x13D80] =	vst v63  }
0x13e: {  	_ =	swait.ge [sflag:s7], $0x7F00  }
0x13f: {  	[sflag:s7] =	ssyncset.done $0x0  }
0x140: {  	[sflag:s7] =	ssyncadd.s32 $0xFFFF8100  }
0x141: {  	[tilespmem:s11], [sflag:$0x2] =	stream.indirect.gather [hbm4b:s3+s9], $0x10, s18, s9, $0xb8;
	[tilespmem:$0x13D80] =	vst v63  }
0x142: {  	_ = 	snop  }
0x143: {  	[tilespmem:s14], [sflag:$0x2] =	stream.indirect.gather [hbm4b:s3+s9], $0x10, s19, s9, $0xb8;
	[tilespmem:$0x13D80] =	vst v63  }
0x144: {  	_ =	swait.ge [sflag:s5], $0x3F80  }
0x145: {  	[sflag:s5] =	ssyncset.done $0x0  }
0x146: {  	[sflag:s5] =	ssyncadd.s32 $0xFFFFC080  }
0x147: {  	_ =	swait.ge [sflag:s5], $0x3F80  }
0x148: {  	[sflag:s5] =	ssyncset.done $0x0  }
0x149: {  	[sflag:s5] =	ssyncadd.s32 $0xFFFFC080  }
0x14a: {  	[hbm4b:s10+s2] =	stream.linear.scatter [tilespmem:s11], [sflag:$0x3], $0x7F00, $0x38;
	[tilespmem:$0x13D80] =	vst v63  }
0x14b: {  	_ =	swait.ge [sflag:s8], $0x7F00  }
0x14c: {  	[sflag:s8] =	ssyncset.done $0x0  }
0x14d: {  	[sflag:s8] =	ssyncadd.s32 $0xFFFF8100  }
0x14e: {  	[tilespmem:s6], [sflag:$0x2] =	stream.indirect.gather [hbm4b:s3+s9], $0x10, s16, s9, $0xb8;
	[tilespmem:$0x13D80] =	vst v63  }
0x14f: {  	_ = 	snop  }
0x150: {  	[tilespmem:s12], [sflag:$0x2] =	stream.indirect.gather [hbm4b:s3+s9], $0x10, s17, s9, $0xb8;
	[tilespmem:$0x13D80] =	vst v63  }
0x151: {  	_ =	swait.ge [sflag:s5], $0x3F80  }
0x152: {  	[sflag:s5] =	ssyncset.done $0x0  }
0x153: {  	[sflag:s5] =	ssyncadd.s32 $0xFFFFC080  }
0x154: {  	_ =	swait.ge [sflag:s5], $0x3F80  }
0x155: {  	[sflag:s5] =	ssyncset.done $0x0  }
0x156: {  	[sflag:s5] =	ssyncadd.s32 $0xFFFFC080  }
0x157: {  	[hbm4b:s4+s2] =	stream.linear.scatter [tilespmem:s6], [sflag:$0x4], $0x7F00, $0x38;
	[tilespmem:$0x13D80] =	vst v63  }
0x158: {  	_ =	swait.ge [sflag:s7], $0x7F00  }
0x159: {  	[sflag:s7] =	ssyncset.done $0x0  }
0x15a: {  	[sflag:s7] =	ssyncadd.s32 $0xFFFF8100  }
0x15b: {  	_ =	swait.ge [sflag:s8], $0x7F00  }
0x15c: {  	[sflag:s8] =	ssyncset.done $0x0  }
0x15d: {  	[sflag:s8] =	ssyncadd.s32 $0xFFFF8100  }
0x15e: {  	_ =	sfence.sel $0x180000  }
0x15f: {  	[bflag:$0x0] =	sbarrier.arrive $0xFFFF  }
0x160: {  	_ =	strace $0x9000004A  }
0x161: {  	s31 =	stileid.u32;
	[bflag:$0x2] =	sbarrier.arrive $0xFFFF  }
0x162: {  	p0 =	sne.s32 s31, $0x0;
	s0 =	rddreg [dreg:$0x1]  }
0x163: {  	s0 =	sadd.s32 @!p0 $0x100000, s0  }
0x164: {  	[sflag:s0] =	ssyncadd.tile.s32 @!p0 $0x1;
	_ =	shalt  }
.Lfunc_end2:
_tile_overlayer_lowered:
.L_overlay_start_2:
0x165: {  	(tag) =	ssettag $0x2  }
0x166: {  	s0 =	rddreg [dreg:$0x0];
	s2 =	stileid.u32  }
0x167: {  	s1 =	rddreg [dreg:$0x1];
	p0 =	sne.s32 s2, $0x0  }
0x168: {  	s3 =	rddreg [dreg:$0x2];
	[bflag:$0x3] =	sbarrier.arrive $0xFFFF;
	s2 =	simm.s32 @!p0 $0x1C05  }
0x169: {  	[timem:s3], [sflag:s2] =	dma.local @!p0 [hbm:s0], s1  }
0x16a: {  	s0 =	simm.s32 @!p0 $0x5  }
0x16b: {  	_ =	swait.ge @!p0 [sflag:s0], s1  }
0x16c: {  	s1 =	ssub.s32 @!p0 $0x0, s1;
	[sflag:s0] =	ssyncset.done @!p0 $0x0  }
0x16d: {  	[sflag:s0] =	ssyncadd.s32 @!p0 s1  }
0x16e: {  	[bflag:$0x3] =	sbarrier.arrive $0xFFFF  }
0x16f: {  	_ =	shalt  }

</sc_bundles>
